<compile_context>
chip_gen: v7x
topology: tpu7x:2x2x1
jax: 0.10.2.dev20260603
libtpu: 0.0.44.dev20260713+nightly
codegen_flags: <defaults>
</compile_context>

<pallas_src>
import functools

import jax
import jax.numpy as jnp
from jax import lax
from jax.experimental import pallas as pl
from jax.experimental.pallas import tpu as pltpu
from jax.experimental.pallas import tpu_sc as plsc

EMBED_DIM = 300
PAIR_DIM = 2 * EMBED_DIM
NUM_CORES = 2
NUM_SUBCORES = 16
NUM_WORKERS = NUM_CORES * NUM_SUBCORES
CHUNK = 32
NBUF = 4
LANES = 16

_mesh = plsc.VectorSubcoreMesh(core_axis_name="c", subcore_axis_name="s")


def _make_gather(n_chunks: int, b_per_w: int, total_rows: int):
    assert n_chunks % NBUF == 0 and n_chunks >= 2 * NBUF

    @functools.partial(
        pl.kernel,
        mesh=_mesh,
        out_type=jax.ShapeDtypeStruct((total_rows * EMBED_DIM,), jnp.float32),
        scratch_types=(
            [pltpu.VMEM((b_per_w,), jnp.int32),
             pltpu.VMEM((b_per_w,), jnp.int32)]
            + [pltpu.VMEM((CHUNK, PAIR_DIM), jnp.float32)] * NBUF
            + [pltpu.VMEM((CHUNK * EMBED_DIM,), jnp.float32)] * NBUF
            + [pltpu.SemaphoreType.DMA] * (2 * NBUF)
        ),
        compiler_params=pltpu.CompilerParams(
            use_tc_tiling_on_sc=False, needs_layout_passes=False),
    )
    def gather(pidx_hbm, soff_hbm, tpair_hbm, out_hbm,
               pidx_v, soff_v, *scr):
        wid = lax.axis_index("s") * NUM_CORES + lax.axis_index("c")
        pltpu.sync_copy(pidx_hbm.at[wid], pidx_v)
        pltpu.sync_copy(soff_hbm.at[wid], soff_v)
        ivec = lax.iota(jnp.int32, LANES)
        wb = scr[0:NBUF]
        cb = scr[NBUF:2 * NBUF]
        gs = scr[2 * NBUF:3 * NBUF]
        ws = scr[3 * NBUF:4 * NBUF]

        def gather_desc(c, b):
            return pltpu.make_async_copy(
                tpair_hbm.at[pidx_v.at[pl.ds(c * CHUNK, CHUNK)]], wb[b],
                gs[b])

        def write_desc(c, b):
            base = (wid * b_per_w + c * CHUNK) * EMBED_DIM
            return pltpu.make_async_copy(
                cb[b], out_hbm.at[pl.ds(base, CHUNK * EMBED_DIM)], ws[b])

        def compact(b):
            def word_body(w, carry2):
                svec = plsc.load_gather(soff_v, [jnp.full((LANES,), w, jnp.int32)])
                wvec = jnp.full((LANES,), w % CHUNK, jnp.int32)
                cvec0 = svec + ivec
                for k in range(2):
                    off = 16 * k if k < 18 else EMBED_DIM - LANES
                    vals = plsc.load_gather(wb[b], [wvec, cvec0 + off])
                    plsc.store_scatter(
                        cb[b], [(w % CHUNK) * EMBED_DIM + off + ivec], vals)
                return carry2
            return word_body

        def compact_chunk(c, b):
            lax.fori_loop(c * CHUNK, (c + 1) * CHUNK, compact(b), 0)

        for b in range(NBUF):
            gather_desc(b, b).start()

        for b in range(NBUF):
            gather_desc(b, b).wait()
            compact_chunk(b, b)
            gather_desc(b + NBUF, b).start()
            write_desc(b, b).start()

        def loop_body(i, carry):
            c2 = NBUF * i + NBUF
            for b in range(NBUF):
                c = c2 + b
                gather_desc(c, b).wait()
                write_desc(c - NBUF, b).wait()
                compact_chunk(c, b)
                gc = jnp.minimum(c + NBUF, n_chunks - 1)
                gather_desc(gc, b).start()
                write_desc(c, b).start()
            return carry

        lax.fori_loop(0, (n_chunks - NBUF) // NBUF, loop_body, 0)

        for b in range(NBUF):
            gather_desc(n_chunks - 1, b).wait()
            write_desc(n_chunks - NBUF + b, b).wait()

    return gather


def kernel(indices, table):
    batch, seq = indices.shape
    vocab, dim = table.shape
    total = batch * seq
    b_per_w = total // NUM_WORKERS
    n_chunks = b_per_w // CHUNK
    idx = indices.reshape(-1).astype(jnp.int32)
    pidx = (idx >> 1).reshape(NUM_WORKERS, b_per_w)
    soff = ((idx & 1) * EMBED_DIM).reshape(NUM_WORKERS, b_per_w)
    table2 = table.reshape(vocab // 2, PAIR_DIM)
    out = _make_gather(n_chunks, b_per_w, total)(pidx, soff, table2)
    return out.reshape(batch, seq, dim)

# --- scband reference (transcript-rebuilt; emitter-appended) ---
"""Pipeline reference for scband-word-embedding-21028159881595 (READ-ONLY COPY).

The authoritative reference and input builder live on the scoring server;
editing this copy changes nothing except your own understanding.
"""

import jax, jax.numpy as jnp
import numpy as np

VOCAB = 1000000
EMBED_DIM = 300
BATCH = 4096
SEQ_LEN = 50


def setup_inputs(seed: int = 0) -> dict:
    key = jax.random.key(seed)
    k_idx, k_tab = jax.random.split(key)
    # WordEmbedding.forward takes a batch of sentences (list of list of words);
    # the string->index mapping (w2i lookup with padding to max sentence length)
    # is precomputed here as an int64 index tensor. Index 0 corresponds to <PAD>/<UNK>.
    indices = jax.random.randint(k_idx, (BATCH, SEQ_LEN), 0, VOCAB, dtype=jnp.int64)
    # GloVe embedding table (nn.Embedding.from_pretrained weights)
    table = jax.random.normal(k_tab, (VOCAB, EMBED_DIM), dtype=jnp.float32) * 0.02
    return {"indices": indices, "table": table}


def reference(indices, table):
    # GloveEmbedding.forward: self.embedding(indices) -> row gather from the table
    return jnp.take(table, indices, axis=0)

if __name__ == "__main__":
    import jax
    _d = setup_inputs()
    print(jax.jit(kernel)(*tuple(_d.values())))

</pallas_src>

<mosaic_0001>
#map = affine_map<(d0, d1) -> (0, 0)>
#map1 = affine_map<(d0, d1) -> (0)>
module attributes {stable_mosaic.version = 14 : i64} {
  func.func @gather(%arg0: i32, %arg1: i32, %arg2: memref<32x6400xi32, #tpu.memory_space<hbm>>, %arg3: memref<32x6400xi32, #tpu.memory_space<hbm>>, %arg4: memref<500000x600xf32, #tpu.memory_space<hbm>>, %arg5: memref<61440000xf32, #tpu.memory_space<hbm>>, %arg6: memref<6400xi32, #tpu.memory_space<vmem>>, %arg7: memref<6400xi32, #tpu.memory_space<vmem>>, %arg8: memref<32x600xf32, #tpu.memory_space<vmem>>, %arg9: memref<32x600xf32, #tpu.memory_space<vmem>>, %arg10: memref<32x600xf32, #tpu.memory_space<vmem>>, %arg11: memref<32x600xf32, #tpu.memory_space<vmem>>, %arg12: memref<9600xf32, #tpu.memory_space<vmem>>, %arg13: memref<9600xf32, #tpu.memory_space<vmem>>, %arg14: memref<9600xf32, #tpu.memory_space<vmem>>, %arg15: memref<9600xf32, #tpu.memory_space<vmem>>, %arg16: memref<!tpu.dma_semaphore, #tpu.memory_space<semaphore_mem>>, %arg17: memref<!tpu.dma_semaphore, #tpu.memory_space<semaphore_mem>>, %arg18: memref<!tpu.dma_semaphore, #tpu.memory_space<semaphore_mem>>, %arg19: memref<!tpu.dma_semaphore, #tpu.memory_space<semaphore_mem>>, %arg20: memref<!tpu.dma_semaphore, #tpu.memory_space<semaphore_mem>>, %arg21: memref<!tpu.dma_semaphore, #tpu.memory_space<semaphore_mem>>, %arg22: memref<!tpu.dma_semaphore, #tpu.memory_space<semaphore_mem>>, %arg23: memref<!tpu.dma_semaphore, #tpu.memory_space<semaphore_mem>>) attributes {dimension_semantics = [#tpu.dimension_semantics<core_parallel>, #tpu.dimension_semantics<subcore_parallel>], iteration_bounds = array<i64: 2, 16>, scalar_prefetch = 0 : i64, scratch_operands = 18 : i64, tpu.core_type = #tpu.core_type<sc_vector_subcore>, window_params = [{transform_indices = #map}, {transform_indices = #map}, {transform_indices = #map}, {transform_indices = #map1}]} {
    %mul3A = arith.constant 2 : i32
    %mul3A_0 = arith.muli %arg1, %mul3A : i32
    %add3A = arith.addi %mul3A_0, %arg0 : i32
    "tpu.region"() ({
      %run_scoped3A = tpu.sem_alloc : memref<!tpu.dma_semaphore, #tpu.memory_space<semaphore_mem>>
      %dma_start3A_172 = arith.constant 0 : i32
      %dma_start3A_173 = tpu.memref_slice %arg2[%add3A, %dma_start3A_172] : memref<32x6400xi32, #tpu.memory_space<hbm>> -> memref<1x6400xi32, #tpu.memory_space<hbm>>
      %dma_start3A_174 = tpu.memref_squeeze %dma_start3A_173 : memref<1x6400xi32, #tpu.memory_space<hbm>> -> memref<6400xi32, #tpu.memory_space<hbm>>
      %dma_start3A_175 = arith.constant 0 : i32
      %dma_start3A_176 = tpu.memref_slice %arg2[%add3A, %dma_start3A_175] : memref<32x6400xi32, #tpu.memory_space<hbm>> -> memref<1x6400xi32, #tpu.memory_space<hbm>>
      %dma_start3A_177 = tpu.memref_squeeze %dma_start3A_176 : memref<1x6400xi32, #tpu.memory_space<hbm>> -> memref<6400xi32, #tpu.memory_space<hbm>>
      tpu.enqueue_dma source(%dma_start3A_177 : memref<6400xi32, #tpu.memory_space<hbm>>) target(%arg6 : memref<6400xi32, #tpu.memory_space<vmem>>) target_semaphore(%run_scoped3A : memref<!tpu.dma_semaphore, #tpu.memory_space<semaphore_mem>>)
      %dma_wait3A_178 = arith.constant 0 : i32
      %dma_wait3A_179 = tpu.memref_slice %arg2[%add3A, %dma_wait3A_178] : memref<32x6400xi32, #tpu.memory_space<hbm>> -> memref<1x6400xi32, #tpu.memory_space<hbm>>
      %dma_wait3A_180 = tpu.memref_squeeze %dma_wait3A_179 : memref<1x6400xi32, #tpu.memory_space<hbm>> -> memref<6400xi32, #tpu.memory_space<hbm>>
      %dma_wait3A_181 = arith.constant 0 : i32
      %dma_wait3A_182 = tpu.memref_slice %arg2[%add3A, %dma_wait3A_181] : memref<32x6400xi32, #tpu.memory_space<hbm>> -> memref<1x6400xi32, #tpu.memory_space<hbm>>
      %dma_wait3A_183 = tpu.memref_squeeze %dma_wait3A_182 : memref<1x6400xi32, #tpu.memory_space<hbm>> -> memref<6400xi32, #tpu.memory_space<hbm>>
      tpu.wait_dma2 semaphore(%run_scoped3A : memref<!tpu.dma_semaphore, #tpu.memory_space<semaphore_mem>>) src(%dma_wait3A_183 : memref<6400xi32, #tpu.memory_space<hbm>>) dst(%arg6 : memref<6400xi32, #tpu.memory_space<vmem>>)
      tpu.yield
    }) : () -> ()
    "tpu.region"() ({
      %run_scoped3A = tpu.sem_alloc : memref<!tpu.dma_semaphore, #tpu.memory_space<semaphore_mem>>
      %dma_start3A_172 = arith.constant 0 : i32
      %dma_start3A_173 = tpu.memref_slice %arg3[%add3A, %dma_start3A_172] : memref<32x6400xi32, #tpu.memory_space<hbm>> -> memref<1x6400xi32, #tpu.memory_space<hbm>>
      %dma_start3A_174 = tpu.memref_squeeze %dma_start3A_173 : memref<1x6400xi32, #tpu.memory_space<hbm>> -> memref<6400xi32, #tpu.memory_space<hbm>>
      %dma_start3A_175 = arith.constant 0 : i32
      %dma_start3A_176 = tpu.memref_slice %arg3[%add3A, %dma_start3A_175] : memref<32x6400xi32, #tpu.memory_space<hbm>> -> memref<1x6400xi32, #tpu.memory_space<hbm>>
      %dma_start3A_177 = tpu.memref_squeeze %dma_start3A_176 : memref<1x6400xi32, #tpu.memory_space<hbm>> -> memref<6400xi32, #tpu.memory_space<hbm>>
      tpu.enqueue_dma source(%dma_start3A_177 : memref<6400xi32, #tpu.memory_space<hbm>>) target(%arg7 : memref<6400xi32, #tpu.memory_space<vmem>>) target_semaphore(%run_scoped3A : memref<!tpu.dma_semaphore, #tpu.memory_space<semaphore_mem>>)
      %dma_wait3A_178 = arith.constant 0 : i32
      %dma_wait3A_179 = tpu.memref_slice %arg3[%add3A, %dma_wait3A_178] : memref<32x6400xi32, #tpu.memory_space<hbm>> -> memref<1x6400xi32, #tpu.memory_space<hbm>>
      %dma_wait3A_180 = tpu.memref_squeeze %dma_wait3A_179 : memref<1x6400xi32, #tpu.memory_space<hbm>> -> memref<6400xi32, #tpu.memory_space<hbm>>
      %dma_wait3A_181 = arith.constant 0 : i32
      %dma_wait3A_182 = tpu.memref_slice %arg3[%add3A, %dma_wait3A_181] : memref<32x6400xi32, #tpu.memory_space<hbm>> -> memref<1x6400xi32, #tpu.memory_space<hbm>>
      %dma_wait3A_183 = tpu.memref_squeeze %dma_wait3A_182 : memref<1x6400xi32, #tpu.memory_space<hbm>> -> memref<6400xi32, #tpu.memory_space<hbm>>
      tpu.wait_dma2 semaphore(%run_scoped3A : memref<!tpu.dma_semaphore, #tpu.memory_space<semaphore_mem>>) src(%dma_wait3A_183 : memref<6400xi32, #tpu.memory_space<hbm>>) dst(%arg7 : memref<6400xi32, #tpu.memory_space<vmem>>)
      tpu.yield
    }) : () -> ()
    %iota3A = tpu.iota {dimensions = array<i32: 0>} : vector<16xi32>
    %dma_start3A = arith.constant 0 : i32
    %dma_start3A_1 = tpu.memref_slice %arg6[%dma_start3A] : memref<6400xi32, #tpu.memory_space<vmem>> -> memref<32xi32, #tpu.memory_space<vmem>>
    %dma_start3A_2 = arith.constant 0 : i32
    %dma_start3A_3 = arith.constant 0 : i32
    %dma_start3A_4 = tpu.memref_slice %arg4[%dma_start3A_2, %dma_start3A_3] : memref<500000x600xf32, #tpu.memory_space<hbm>> -> memref<500000x600xf32, #tpu.memory_space<hbm>>
    tpu.enqueue_indirect_dma source(%dma_start3A_4 : memref<500000x600xf32, #tpu.memory_space<hbm>>) target(%arg8 : memref<32x600xf32, #tpu.memory_space<vmem>>) offsets(%dma_start3A_1 : memref<32xi32, #tpu.memory_space<vmem>>) semaphore(%arg16 : memref<!tpu.dma_semaphore, #tpu.memory_space<semaphore_mem>>)
    %dma_start3A_5 = arith.constant 32 : i32
    %dma_start3A_6 = tpu.memref_slice %arg6[%dma_start3A_5] : memref<6400xi32, #tpu.memory_space<vmem>> -> memref<32xi32, #tpu.memory_space<vmem>>
    %dma_start3A_7 = arith.constant 0 : i32
    %dma_start3A_8 = arith.constant 0 : i32
    %dma_start3A_9 = tpu.memref_slice %arg4[%dma_start3A_7, %dma_start3A_8] : memref<500000x600xf32, #tpu.memory_space<hbm>> -> memref<500000x600xf32, #tpu.memory_space<hbm>>
    tpu.enqueue_indirect_dma source(%dma_start3A_9 : memref<500000x600xf32, #tpu.memory_space<hbm>>) target(%arg9 : memref<32x600xf32, #tpu.memory_space<vmem>>) offsets(%dma_start3A_6 : memref<32xi32, #tpu.memory_space<vmem>>) semaphore(%arg17 : memref<!tpu.dma_semaphore, #tpu.memory_space<semaphore_mem>>)
    %dma_start3A_10 = arith.constant 64 : i32
    %dma_start3A_11 = tpu.memref_slice %arg6[%dma_start3A_10] : memref<6400xi32, #tpu.memory_space<vmem>> -> memref<32xi32, #tpu.memory_space<vmem>>
    %dma_start3A_12 = arith.constant 0 : i32
    %dma_start3A_13 = arith.constant 0 : i32
    %dma_start3A_14 = tpu.memref_slice %arg4[%dma_start3A_12, %dma_start3A_13] : memref<500000x600xf32, #tpu.memory_space<hbm>> -> memref<500000x600xf32, #tpu.memory_space<hbm>>
    tpu.enqueue_indirect_dma source(%dma_start3A_14 : memref<500000x600xf32, #tpu.memory_space<hbm>>) target(%arg10 : memref<32x600xf32, #tpu.memory_space<vmem>>) offsets(%dma_start3A_11 : memref<32xi32, #tpu.memory_space<vmem>>) semaphore(%arg18 : memref<!tpu.dma_semaphore, #tpu.memory_space<semaphore_mem>>)
    %dma_start3A_15 = arith.constant 96 : i32
    %dma_start3A_16 = tpu.memref_slice %arg6[%dma_start3A_15] : memref<6400xi32, #tpu.memory_space<vmem>> -> memref<32xi32, #tpu.memory_space<vmem>>
    %dma_start3A_17 = arith.constant 0 : i32
    %dma_start3A_18 = arith.constant 0 : i32
    %dma_start3A_19 = tpu.memref_slice %arg4[%dma_start3A_17, %dma_start3A_18] : memref<500000x600xf32, #tpu.memory_space<hbm>> -> memref<500000x600xf32, #tpu.memory_space<hbm>>
    tpu.enqueue_indirect_dma source(%dma_start3A_19 : memref<500000x600xf32, #tpu.memory_space<hbm>>) target(%arg11 : memref<32x600xf32, #tpu.memory_space<vmem>>) offsets(%dma_start3A_16 : memref<32xi32, #tpu.memory_space<vmem>>) semaphore(%arg19 : memref<!tpu.dma_semaphore, #tpu.memory_space<semaphore_mem>>)
    %dma_wait3A = arith.constant 0 : i32
    %dma_wait3A_20 = tpu.memref_slice %arg6[%dma_wait3A] : memref<6400xi32, #tpu.memory_space<vmem>> -> memref<32xi32, #tpu.memory_space<vmem>>
    %dma_wait3A_21 = arith.constant 0 : i32
    %dma_wait3A_22 = arith.constant 0 : i32
    %dma_wait3A_23 = tpu.memref_slice %arg4[%dma_wait3A_21, %dma_wait3A_22] : memref<500000x600xf32, #tpu.memory_space<hbm>> -> memref<500000x600xf32, #tpu.memory_space<hbm>>
    tpu.wait_indirect_dma semaphore(%arg16 : memref<!tpu.dma_semaphore, #tpu.memory_space<semaphore_mem>>) src(%dma_wait3A_23 : memref<500000x600xf32, #tpu.memory_space<hbm>>) dst(%arg8 : memref<32x600xf32, #tpu.memory_space<vmem>>)
    %scan3A = arith.constant 0 : i32
    %scan3A_24 = arith.constant 0 : i32
    %scan3A_25 = arith.constant 32 : i32
    %scan3A_26 = arith.addi %scan3A_24, %scan3A_25 : i32
    %scan3A_27 = arith.constant 1 : i32
    scf.for %scan3A_172 = %scan3A_24 to %scan3A_26 step %scan3A_27  : i32 {
      %broadcast_in_dim3A = vector.broadcast %scan3A_172 : i32 to vector<16xi32>
      %gather3A = tpu.vector_load_idx %arg7[%broadcast_in_dim3A] : memref<6400xi32, #tpu.memory_space<vmem>>[vector<16xi32>], vector<16xi32>,
      %jit3A = arith.constant 32 : i32
      %eq3A = arith.constant 0 : i32
      %eq3A_173 = arith.cmpi eq, %jit3A, %eq3A : i32
      %jit3A_174 = arith.constant 1 : i32
      %select_n3A = arith.select %eq3A_173, %jit3A_174, %jit3A : i32
      %rem3A = arith.remsi %scan3A_172, %select_n3A : i32
      %ne3A = arith.constant 0 : i32
      %ne3A_175 = arith.cmpi ne, %rem3A, %ne3A : i32
      %lt3A = arith.constant 0 : i32
      %lt3A_176 = arith.cmpi slt, %rem3A, %lt3A : i32
      %lt3A_177 = arith.constant 0 : i32
      %lt3A_178 = arith.cmpi slt, %select_n3A, %lt3A_177 : i32
      %ne3A_179 = arith.xori %lt3A_176, %lt3A_178 : i1
      %and3A = arith.andi %ne3A_179, %ne3A_175 : i1
      %add3A_180 = arith.addi %rem3A, %select_n3A : i32
      %select_n3A_181 = arith.select %and3A, %add3A_180, %rem3A : i32
      %broadcast_in_dim3A_182 = vector.broadcast %select_n3A_181 : i32 to vector<16xi32>
      %add3A_183 = arith.addi %gather3A, %iota3A : vector<16xi32>
      %add3A_184 = arith.constant 0 : i32
      %add3A_185 = vector.broadcast %add3A_184 : i32 to vector<16xi32>
      %add3A_186 = arith.addi %add3A_183, %add3A_185 : vector<16xi32>
      %gather3A_187 = tpu.vector_load_idx %arg8[%broadcast_in_dim3A_182, %add3A_186] : memref<32x600xf32, #tpu.memory_space<vmem>>[vector<16xi32>, vector<16xi32>], vector<16xf32>,
      %jit3A_188 = arith.constant 32 : i32
      %eq3A_189 = arith.constant 0 : i32
      %eq3A_190 = arith.cmpi eq, %jit3A_188, %eq3A_189 : i32
      %jit3A_191 = arith.constant 1 : i32
      %select_n3A_192 = arith.select %eq3A_190, %jit3A_191, %jit3A_188 : i32
      %rem3A_193 = arith.remsi %scan3A_172, %select_n3A_192 : i32
      %ne3A_194 = arith.constant 0 : i32
      %ne3A_195 = arith.cmpi ne, %rem3A_193, %ne3A_194 : i32
      %lt3A_196 = arith.constant 0 : i32
      %lt3A_197 = arith.cmpi slt, %rem3A_193, %lt3A_196 : i32
      %lt3A_198 = arith.constant 0 : i32
      %lt3A_199 = arith.cmpi slt, %select_n3A_192, %lt3A_198 : i32
      %ne3A_200 = arith.xori %lt3A_197, %lt3A_199 : i1
      %and3A_201 = arith.andi %ne3A_200, %ne3A_195 : i1
      %add3A_202 = arith.addi %rem3A_193, %select_n3A_192 : i32
      %select_n3A_203 = arith.select %and3A_201, %add3A_202, %rem3A_193 : i32
      %mul3A_204 = arith.constant 300 : i32
      %mul3A_205 = arith.muli %select_n3A_203, %mul3A_204 : i32
      %add3A_206 = arith.constant 0 : i32
      %add3A_207 = arith.addi %mul3A_205, %add3A_206 : i32
      %add3A_208 = vector.broadcast %add3A_207 : i32 to vector<16xi32>
      %add3A_209 = arith.addi %add3A_208, %iota3A : vector<16xi32>
      tpu.vector_store_idx %arg12[%add3A_209], %gather3A_187 : memref<9600xf32, #tpu.memory_space<vmem>>[vector<16xi32>], vector<16xf32>,
      %add3A_210 = arith.constant 16 : i32
      %add3A_211 = vector.broadcast %add3A_210 : i32 to vector<16xi32>
      %add3A_212 = arith.addi %add3A_183, %add3A_211 : vector<16xi32>
      %gather3A_213 = tpu.vector_load_idx %arg8[%broadcast_in_dim3A_182, %add3A_212] : memref<32x600xf32, #tpu.memory_space<vmem>>[vector<16xi32>, vector<16xi32>], vector<16xf32>,
      %jit3A_214 = arith.constant 32 : i32
      %eq3A_215 = arith.constant 0 : i32
      %eq3A_216 = arith.cmpi eq, %jit3A_214, %eq3A_215 : i32
      %jit3A_217 = arith.constant 1 : i32
      %select_n3A_218 = arith.select %eq3A_216, %jit3A_217, %jit3A_214 : i32
      %rem3A_219 = arith.remsi %scan3A_172, %select_n3A_218 : i32
      %ne3A_220 = arith.constant 0 : i32
      %ne3A_221 = arith.cmpi ne, %rem3A_219, %ne3A_220 : i32
      %lt3A_222 = arith.constant 0 : i32
      %lt3A_223 = arith.cmpi slt, %rem3A_219, %lt3A_222 : i32
      %lt3A_224 = arith.constant 0 : i32
      %lt3A_225 = arith.cmpi slt, %select_n3A_218, %lt3A_224 : i32
      %ne3A_226 = arith.xori %lt3A_223, %lt3A_225 : i1
      %and3A_227 = arith.andi %ne3A_226, %ne3A_221 : i1
      %add3A_228 = arith.addi %rem3A_219, %select_n3A_218 : i32
      %select_n3A_229 = arith.select %and3A_227, %add3A_228, %rem3A_219 : i32
      %mul3A_230 = arith.constant 300 : i32
      %mul3A_231 = arith.muli %select_n3A_229, %mul3A_230 : i32
      %add3A_232 = arith.constant 16 : i32
      %add3A_233 = arith.addi %mul3A_231, %add3A_232 : i32
      %add3A_234 = vector.broadcast %add3A_233 : i32 to vector<16xi32>
      %add3A_235 = arith.addi %add3A_234, %iota3A : vector<16xi32>
      tpu.vector_store_idx %arg12[%add3A_235], %gather3A_213 : memref<9600xf32, #tpu.memory_space<vmem>>[vector<16xi32>], vector<16xf32>,
    }
    %scan3A_28 = arith.constant 32 : i32
    %dma_start3A_29 = arith.constant 128 : i32
    %dma_start3A_30 = tpu.memref_slice %arg6[%dma_start3A_29] : memref<6400xi32, #tpu.memory_space<vmem>> -> memref<32xi32, #tpu.memory_space<vmem>>
    %dma_start3A_31 = arith.constant 0 : i32
    %dma_start3A_32 = arith.constant 0 : i32
    %dma_start3A_33 = tpu.memref_slice %arg4[%dma_start3A_31, %dma_start3A_32] : memref<500000x600xf32, #tpu.memory_space<hbm>> -> memref<500000x600xf32, #tpu.memory_space<hbm>>
    tpu.enqueue_indirect_dma source(%dma_start3A_33 : memref<500000x600xf32, #tpu.memory_space<hbm>>) target(%arg8 : memref<32x600xf32, #tpu.memory_space<vmem>>) offsets(%dma_start3A_30 : memref<32xi32, #tpu.memory_space<vmem>>) semaphore(%arg16 : memref<!tpu.dma_semaphore, #tpu.memory_space<semaphore_mem>>)
    %mul3A_34 = arith.constant 6400 : i32
    %mul3A_35 = arith.muli %add3A, %mul3A_34 : i32
    %add3A_36 = arith.constant 0 : i32
    %add3A_37 = arith.addi %mul3A_35, %add3A_36 : i32
    %mul3A_38 = arith.constant 300 : i32
    %mul3A_39 = arith.muli %add3A_37, %mul3A_38 : i32
    %dma_start3A_40 = tpu.memref_slice %arg5[%mul3A_39] : memref<61440000xf32, #tpu.memory_space<hbm>> -> memref<9600xf32, #tpu.memory_space<hbm>>
    %dma_start3A_41 = tpu.memref_slice %arg5[%mul3A_39] : memref<61440000xf32, #tpu.memory_space<hbm>> -> memref<9600xf32, #tpu.memory_space<hbm>>
    tpu.enqueue_dma source(%arg12 : memref<9600xf32, #tpu.memory_space<vmem>>) target(%dma_start3A_41 : memref<9600xf32, #tpu.memory_space<hbm>>) target_semaphore(%arg20 : memref<!tpu.dma_semaphore, #tpu.memory_space<semaphore_mem>>)
    %dma_wait3A_42 = arith.constant 32 : i32
    %dma_wait3A_43 = tpu.memref_slice %arg6[%dma_wait3A_42] : memref<6400xi32, #tpu.memory_space<vmem>> -> memref<32xi32, #tpu.memory_space<vmem>>
    %dma_wait3A_44 = arith.constant 0 : i32
    %dma_wait3A_45 = arith.constant 0 : i32
    %dma_wait3A_46 = tpu.memref_slice %arg4[%dma_wait3A_44, %dma_wait3A_45] : memref<500000x600xf32, #tpu.memory_space<hbm>> -> memref<500000x600xf32, #tpu.memory_space<hbm>>
    tpu.wait_indirect_dma semaphore(%arg17 : memref<!tpu.dma_semaphore, #tpu.memory_space<semaphore_mem>>) src(%dma_wait3A_46 : memref<500000x600xf32, #tpu.memory_space<hbm>>) dst(%arg9 : memref<32x600xf32, #tpu.memory_space<vmem>>)
    %scan3A_47 = arith.constant 0 : i32
    %scan3A_48 = arith.constant 32 : i32
    %scan3A_49 = arith.constant 32 : i32
    %scan3A_50 = arith.addi %scan3A_48, %scan3A_49 : i32
    %scan3A_51 = arith.constant 1 : i32
    scf.for %scan3A_172 = %scan3A_48 to %scan3A_50 step %scan3A_51  : i32 {
      %broadcast_in_dim3A = vector.broadcast %scan3A_172 : i32 to vector<16xi32>
      %gather3A = tpu.vector_load_idx %arg7[%broadcast_in_dim3A] : memref<6400xi32, #tpu.memory_space<vmem>>[vector<16xi32>], vector<16xi32>,
      %jit3A = arith.constant 32 : i32
      %eq3A = arith.constant 0 : i32
      %eq3A_173 = arith.cmpi eq, %jit3A, %eq3A : i32
      %jit3A_174 = arith.constant 1 : i32
      %select_n3A = arith.select %eq3A_173, %jit3A_174, %jit3A : i32
      %rem3A = arith.remsi %scan3A_172, %select_n3A : i32
      %ne3A = arith.constant 0 : i32
      %ne3A_175 = arith.cmpi ne, %rem3A, %ne3A : i32
      %lt3A = arith.constant 0 : i32
      %lt3A_176 = arith.cmpi slt, %rem3A, %lt3A : i32
      %lt3A_177 = arith.constant 0 : i32
      %lt3A_178 = arith.cmpi slt, %select_n3A, %lt3A_177 : i32
      %ne3A_179 = arith.xori %lt3A_176, %lt3A_178 : i1
      %and3A = arith.andi %ne3A_179, %ne3A_175 : i1
      %add3A_180 = arith.addi %rem3A, %select_n3A : i32
      %select_n3A_181 = arith.select %and3A, %add3A_180, %rem3A : i32
      %broadcast_in_dim3A_182 = vector.broadcast %select_n3A_181 : i32 to vector<16xi32>
      %add3A_183 = arith.addi %gather3A, %iota3A : vector<16xi32>
      %add3A_184 = arith.constant 0 : i32
      %add3A_185 = vector.broadcast %add3A_184 : i32 to vector<16xi32>
      %add3A_186 = arith.addi %add3A_183, %add3A_185 : vector<16xi32>
      %gather3A_187 = tpu.vector_load_idx %arg9[%broadcast_in_dim3A_182, %add3A_186] : memref<32x600xf32, #tpu.memory_space<vmem>>[vector<16xi32>, vector<16xi32>], vector<16xf32>,
      %jit3A_188 = arith.constant 32 : i32
      %eq3A_189 = arith.constant 0 : i32
      %eq3A_190 = arith.cmpi eq, %jit3A_188, %eq3A_189 : i32
      %jit3A_191 = arith.constant 1 : i32
      %select_n3A_192 = arith.select %eq3A_190, %jit3A_191, %jit3A_188 : i32
      %rem3A_193 = arith.remsi %scan3A_172, %select_n3A_192 : i32
      %ne3A_194 = arith.constant 0 : i32
      %ne3A_195 = arith.cmpi ne, %rem3A_193, %ne3A_194 : i32
      %lt3A_196 = arith.constant 0 : i32
      %lt3A_197 = arith.cmpi slt, %rem3A_193, %lt3A_196 : i32
      %lt3A_198 = arith.constant 0 : i32
      %lt3A_199 = arith.cmpi slt, %select_n3A_192, %lt3A_198 : i32
      %ne3A_200 = arith.xori %lt3A_197, %lt3A_199 : i1
      %and3A_201 = arith.andi %ne3A_200, %ne3A_195 : i1
      %add3A_202 = arith.addi %rem3A_193, %select_n3A_192 : i32
      %select_n3A_203 = arith.select %and3A_201, %add3A_202, %rem3A_193 : i32
      %mul3A_204 = arith.constant 300 : i32
      %mul3A_205 = arith.muli %select_n3A_203, %mul3A_204 : i32
      %add3A_206 = arith.constant 0 : i32
      %add3A_207 = arith.addi %mul3A_205, %add3A_206 : i32
      %add3A_208 = vector.broadcast %add3A_207 : i32 to vector<16xi32>
      %add3A_209 = arith.addi %add3A_208, %iota3A : vector<16xi32>
      tpu.vector_store_idx %arg13[%add3A_209], %gather3A_187 : memref<9600xf32, #tpu.memory_space<vmem>>[vector<16xi32>], vector<16xf32>,
      %add3A_210 = arith.constant 16 : i32
      %add3A_211 = vector.broadcast %add3A_210 : i32 to vector<16xi32>
      %add3A_212 = arith.addi %add3A_183, %add3A_211 : vector<16xi32>
      %gather3A_213 = tpu.vector_load_idx %arg9[%broadcast_in_dim3A_182, %add3A_212] : memref<32x600xf32, #tpu.memory_space<vmem>>[vector<16xi32>, vector<16xi32>], vector<16xf32>,
      %jit3A_214 = arith.constant 32 : i32
      %eq3A_215 = arith.constant 0 : i32
      %eq3A_216 = arith.cmpi eq, %jit3A_214, %eq3A_215 : i32
      %jit3A_217 = arith.constant 1 : i32
      %select_n3A_218 = arith.select %eq3A_216, %jit3A_217, %jit3A_214 : i32
      %rem3A_219 = arith.remsi %scan3A_172, %select_n3A_218 : i32
      %ne3A_220 = arith.constant 0 : i32
      %ne3A_221 = arith.cmpi ne, %rem3A_219, %ne3A_220 : i32
      %lt3A_222 = arith.constant 0 : i32
      %lt3A_223 = arith.cmpi slt, %rem3A_219, %lt3A_222 : i32
      %lt3A_224 = arith.constant 0 : i32
      %lt3A_225 = arith.cmpi slt, %select_n3A_218, %lt3A_224 : i32
      %ne3A_226 = arith.xori %lt3A_223, %lt3A_225 : i1
      %and3A_227 = arith.andi %ne3A_226, %ne3A_221 : i1
      %add3A_228 = arith.addi %rem3A_219, %select_n3A_218 : i32
      %select_n3A_229 = arith.select %and3A_227, %add3A_228, %rem3A_219 : i32
      %mul3A_230 = arith.constant 300 : i32
      %mul3A_231 = arith.muli %select_n3A_229, %mul3A_230 : i32
      %add3A_232 = arith.constant 16 : i32
      %add3A_233 = arith.addi %mul3A_231, %add3A_232 : i32
      %add3A_234 = vector.broadcast %add3A_233 : i32 to vector<16xi32>
      %add3A_235 = arith.addi %add3A_234, %iota3A : vector<16xi32>
      tpu.vector_store_idx %arg13[%add3A_235], %gather3A_213 : memref<9600xf32, #tpu.memory_space<vmem>>[vector<16xi32>], vector<16xf32>,
    }
    %scan3A_52 = arith.constant 32 : i32
    %dma_start3A_53 = arith.constant 160 : i32
    %dma_start3A_54 = tpu.memref_slice %arg6[%dma_start3A_53] : memref<6400xi32, #tpu.memory_space<vmem>> -> memref<32xi32, #tpu.memory_space<vmem>>
    %dma_start3A_55 = arith.constant 0 : i32
    %dma_start3A_56 = arith.constant 0 : i32
    %dma_start3A_57 = tpu.memref_slice %arg4[%dma_start3A_55, %dma_start3A_56] : memref<500000x600xf32, #tpu.memory_space<hbm>> -> memref<500000x600xf32, #tpu.memory_space<hbm>>
    tpu.enqueue_indirect_dma source(%dma_start3A_57 : memref<500000x600xf32, #tpu.memory_space<hbm>>) target(%arg9 : memref<32x600xf32, #tpu.memory_space<vmem>>) offsets(%dma_start3A_54 : memref<32xi32, #tpu.memory_space<vmem>>) semaphore(%arg17 : memref<!tpu.dma_semaphore, #tpu.memory_space<semaphore_mem>>)
    %mul3A_58 = arith.constant 6400 : i32
    %mul3A_59 = arith.muli %add3A, %mul3A_58 : i32
    %add3A_60 = arith.constant 32 : i32
    %add3A_61 = arith.addi %mul3A_59, %add3A_60 : i32
    %mul3A_62 = arith.constant 300 : i32
    %mul3A_63 = arith.muli %add3A_61, %mul3A_62 : i32
    %dma_start3A_64 = tpu.memref_slice %arg5[%mul3A_63] : memref<61440000xf32, #tpu.memory_space<hbm>> -> memref<9600xf32, #tpu.memory_space<hbm>>
    %dma_start3A_65 = tpu.memref_slice %arg5[%mul3A_63] : memref<61440000xf32, #tpu.memory_space<hbm>> -> memref<9600xf32, #tpu.memory_space<hbm>>
    tpu.enqueue_dma source(%arg13 : memref<9600xf32, #tpu.memory_space<vmem>>) target(%dma_start3A_65 : memref<9600xf32, #tpu.memory_space<hbm>>) target_semaphore(%arg21 : memref<!tpu.dma_semaphore, #tpu.memory_space<semaphore_mem>>)
    %dma_wait3A_66 = arith.constant 64 : i32
    %dma_wait3A_67 = tpu.memref_slice %arg6[%dma_wait3A_66] : memref<6400xi32, #tpu.memory_space<vmem>> -> memref<32xi32, #tpu.memory_space<vmem>>
    %dma_wait3A_68 = arith.constant 0 : i32
    %dma_wait3A_69 = arith.constant 0 : i32
    %dma_wait3A_70 = tpu.memref_slice %arg4[%dma_wait3A_68, %dma_wait3A_69] : memref<500000x600xf32, #tpu.memory_space<hbm>> -> memref<500000x600xf32, #tpu.memory_space<hbm>>
    tpu.wait_indirect_dma semaphore(%arg18 : memref<!tpu.dma_semaphore, #tpu.memory_space<semaphore_mem>>) src(%dma_wait3A_70 : memref<500000x600xf32, #tpu.memory_space<hbm>>) dst(%arg10 : memref<32x600xf32, #tpu.memory_space<vmem>>)
    %scan3A_71 = arith.constant 0 : i32
    %scan3A_72 = arith.constant 64 : i32
    %scan3A_73 = arith.constant 32 : i32
    %scan3A_74 = arith.addi %scan3A_72, %scan3A_73 : i32
    %scan3A_75 = arith.constant 1 : i32
    scf.for %scan3A_172 = %scan3A_72 to %scan3A_74 step %scan3A_75  : i32 {
      %broadcast_in_dim3A = vector.broadcast %scan3A_172 : i32 to vector<16xi32>
      %gather3A = tpu.vector_load_idx %arg7[%broadcast_in_dim3A] : memref<6400xi32, #tpu.memory_space<vmem>>[vector<16xi32>], vector<16xi32>,
      %jit3A = arith.constant 32 : i32
      %eq3A = arith.constant 0 : i32
      %eq3A_173 = arith.cmpi eq, %jit3A, %eq3A : i32
      %jit3A_174 = arith.constant 1 : i32
      %select_n3A = arith.select %eq3A_173, %jit3A_174, %jit3A : i32
      %rem3A = arith.remsi %scan3A_172, %select_n3A : i32
      %ne3A = arith.constant 0 : i32
      %ne3A_175 = arith.cmpi ne, %rem3A, %ne3A : i32
      %lt3A = arith.constant 0 : i32
      %lt3A_176 = arith.cmpi slt, %rem3A, %lt3A : i32
      %lt3A_177 = arith.constant 0 : i32
      %lt3A_178 = arith.cmpi slt, %select_n3A, %lt3A_177 : i32
      %ne3A_179 = arith.xori %lt3A_176, %lt3A_178 : i1
      %and3A = arith.andi %ne3A_179, %ne3A_175 : i1
      %add3A_180 = arith.addi %rem3A, %select_n3A : i32
      %select_n3A_181 = arith.select %and3A, %add3A_180, %rem3A : i32
      %broadcast_in_dim3A_182 = vector.broadcast %select_n3A_181 : i32 to vector<16xi32>
      %add3A_183 = arith.addi %gather3A, %iota3A : vector<16xi32>
      %add3A_184 = arith.constant 0 : i32
      %add3A_185 = vector.broadcast %add3A_184 : i32 to vector<16xi32>
      %add3A_186 = arith.addi %add3A_183, %add3A_185 : vector<16xi32>
      %gather3A_187 = tpu.vector_load_idx %arg10[%broadcast_in_dim3A_182, %add3A_186] : memref<32x600xf32, #tpu.memory_space<vmem>>[vector<16xi32>, vector<16xi32>], vector<16xf32>,
      %jit3A_188 = arith.constant 32 : i32
      %eq3A_189 = arith.constant 0 : i32
      %eq3A_190 = arith.cmpi eq, %jit3A_188, %eq3A_189 : i32
      %jit3A_191 = arith.constant 1 : i32
      %select_n3A_192 = arith.select %eq3A_190, %jit3A_191, %jit3A_188 : i32
      %rem3A_193 = arith.remsi %scan3A_172, %select_n3A_192 : i32
      %ne3A_194 = arith.constant 0 : i32
      %ne3A_195 = arith.cmpi ne, %rem3A_193, %ne3A_194 : i32
      %lt3A_196 = arith.constant 0 : i32
      %lt3A_197 = arith.cmpi slt, %rem3A_193, %lt3A_196 : i32
      %lt3A_198 = arith.constant 0 : i32
      %lt3A_199 = arith.cmpi slt, %select_n3A_192, %lt3A_198 : i32
      %ne3A_200 = arith.xori %lt3A_197, %lt3A_199 : i1
      %and3A_201 = arith.andi %ne3A_200, %ne3A_195 : i1
      %add3A_202 = arith.addi %rem3A_193, %select_n3A_192 : i32
      %select_n3A_203 = arith.select %and3A_201, %add3A_202, %rem3A_193 : i32
      %mul3A_204 = arith.constant 300 : i32
      %mul3A_205 = arith.muli %select_n3A_203, %mul3A_204 : i32
      %add3A_206 = arith.constant 0 : i32
      %add3A_207 = arith.addi %mul3A_205, %add3A_206 : i32
      %add3A_208 = vector.broadcast %add3A_207 : i32 to vector<16xi32>
      %add3A_209 = arith.addi %add3A_208, %iota3A : vector<16xi32>
      tpu.vector_store_idx %arg14[%add3A_209], %gather3A_187 : memref<9600xf32, #tpu.memory_space<vmem>>[vector<16xi32>], vector<16xf32>,
      %add3A_210 = arith.constant 16 : i32
      %add3A_211 = vector.broadcast %add3A_210 : i32 to vector<16xi32>
      %add3A_212 = arith.addi %add3A_183, %add3A_211 : vector<16xi32>
      %gather3A_213 = tpu.vector_load_idx %arg10[%broadcast_in_dim3A_182, %add3A_212] : memref<32x600xf32, #tpu.memory_space<vmem>>[vector<16xi32>, vector<16xi32>], vector<16xf32>,
      %jit3A_214 = arith.constant 32 : i32
      %eq3A_215 = arith.constant 0 : i32
      %eq3A_216 = arith.cmpi eq, %jit3A_214, %eq3A_215 : i32
      %jit3A_217 = arith.constant 1 : i32
      %select_n3A_218 = arith.select %eq3A_216, %jit3A_217, %jit3A_214 : i32
      %rem3A_219 = arith.remsi %scan3A_172, %select_n3A_218 : i32
      %ne3A_220 = arith.constant 0 : i32
      %ne3A_221 = arith.cmpi ne, %rem3A_219, %ne3A_220 : i32
      %lt3A_222 = arith.constant 0 : i32
      %lt3A_223 = arith.cmpi slt, %rem3A_219, %lt3A_222 : i32
      %lt3A_224 = arith.constant 0 : i32
      %lt3A_225 = arith.cmpi slt, %select_n3A_218, %lt3A_224 : i32
      %ne3A_226 = arith.xori %lt3A_223, %lt3A_225 : i1
      %and3A_227 = arith.andi %ne3A_226, %ne3A_221 : i1
      %add3A_228 = arith.addi %rem3A_219, %select_n3A_218 : i32
      %select_n3A_229 = arith.select %and3A_227, %add3A_228, %rem3A_219 : i32
      %mul3A_230 = arith.constant 300 : i32
      %mul3A_231 = arith.muli %select_n3A_229, %mul3A_230 : i32
      %add3A_232 = arith.constant 16 : i32
      %add3A_233 = arith.addi %mul3A_231, %add3A_232 : i32
      %add3A_234 = vector.broadcast %add3A_233 : i32 to vector<16xi32>
      %add3A_235 = arith.addi %add3A_234, %iota3A : vector<16xi32>
      tpu.vector_store_idx %arg14[%add3A_235], %gather3A_213 : memref<9600xf32, #tpu.memory_space<vmem>>[vector<16xi32>], vector<16xf32>,
    }
    %scan3A_76 = arith.constant 32 : i32
    %dma_start3A_77 = arith.constant 192 : i32
    %dma_start3A_78 = tpu.memref_slice %arg6[%dma_start3A_77] : memref<6400xi32, #tpu.memory_space<vmem>> -> memref<32xi32, #tpu.memory_space<vmem>>
    %dma_start3A_79 = arith.constant 0 : i32
    %dma_start3A_80 = arith.constant 0 : i32
    %dma_start3A_81 = tpu.memref_slice %arg4[%dma_start3A_79, %dma_start3A_80] : memref<500000x600xf32, #tpu.memory_space<hbm>> -> memref<500000x600xf32, #tpu.memory_space<hbm>>
    tpu.enqueue_indirect_dma source(%dma_start3A_81 : memref<500000x600xf32, #tpu.memory_space<hbm>>) target(%arg10 : memref<32x600xf32, #tpu.memory_space<vmem>>) offsets(%dma_start3A_78 : memref<32xi32, #tpu.memory_space<vmem>>) semaphore(%arg18 : memref<!tpu.dma_semaphore, #tpu.memory_space<semaphore_mem>>)
    %mul3A_82 = arith.constant 6400 : i32
    %mul3A_83 = arith.muli %add3A, %mul3A_82 : i32
    %add3A_84 = arith.constant 64 : i32
    %add3A_85 = arith.addi %mul3A_83, %add3A_84 : i32
    %mul3A_86 = arith.constant 300 : i32
    %mul3A_87 = arith.muli %add3A_85, %mul3A_86 : i32
    %dma_start3A_88 = tpu.memref_slice %arg5[%mul3A_87] : memref<61440000xf32, #tpu.memory_space<hbm>> -> memref<9600xf32, #tpu.memory_space<hbm>>
    %dma_start3A_89 = tpu.memref_slice %arg5[%mul3A_87] : memref<61440000xf32, #tpu.memory_space<hbm>> -> memref<9600xf32, #tpu.memory_space<hbm>>
    tpu.enqueue_dma source(%arg14 : memref<9600xf32, #tpu.memory_space<vmem>>) target(%dma_start3A_89 : memref<9600xf32, #tpu.memory_space<hbm>>) target_semaphore(%arg22 : memref<!tpu.dma_semaphore, #tpu.memory_space<semaphore_mem>>)
    %dma_wait3A_90 = arith.constant 96 : i32
    %dma_wait3A_91 = tpu.memref_slice %arg6[%dma_wait3A_90] : memref<6400xi32, #tpu.memory_space<vmem>> -> memref<32xi32, #tpu.memory_space<vmem>>
    %dma_wait3A_92 = arith.constant 0 : i32
    %dma_wait3A_93 = arith.constant 0 : i32
    %dma_wait3A_94 = tpu.memref_slice %arg4[%dma_wait3A_92, %dma_wait3A_93] : memref<500000x600xf32, #tpu.memory_space<hbm>> -> memref<500000x600xf32, #tpu.memory_space<hbm>>
    tpu.wait_indirect_dma semaphore(%arg19 : memref<!tpu.dma_semaphore, #tpu.memory_space<semaphore_mem>>) src(%dma_wait3A_94 : memref<500000x600xf32, #tpu.memory_space<hbm>>) dst(%arg11 : memref<32x600xf32, #tpu.memory_space<vmem>>)
    %scan3A_95 = arith.constant 0 : i32
    %scan3A_96 = arith.constant 96 : i32
    %scan3A_97 = arith.constant 32 : i32
    %scan3A_98 = arith.addi %scan3A_96, %scan3A_97 : i32
    %scan3A_99 = arith.constant 1 : i32
    scf.for %scan3A_172 = %scan3A_96 to %scan3A_98 step %scan3A_99  : i32 {
      %broadcast_in_dim3A = vector.broadcast %scan3A_172 : i32 to vector<16xi32>
      %gather3A = tpu.vector_load_idx %arg7[%broadcast_in_dim3A] : memref<6400xi32, #tpu.memory_space<vmem>>[vector<16xi32>], vector<16xi32>,
      %jit3A = arith.constant 32 : i32
      %eq3A = arith.constant 0 : i32
      %eq3A_173 = arith.cmpi eq, %jit3A, %eq3A : i32
      %jit3A_174 = arith.constant 1 : i32
      %select_n3A = arith.select %eq3A_173, %jit3A_174, %jit3A : i32
      %rem3A = arith.remsi %scan3A_172, %select_n3A : i32
      %ne3A = arith.constant 0 : i32
      %ne3A_175 = arith.cmpi ne, %rem3A, %ne3A : i32
      %lt3A = arith.constant 0 : i32
      %lt3A_176 = arith.cmpi slt, %rem3A, %lt3A : i32
      %lt3A_177 = arith.constant 0 : i32
      %lt3A_178 = arith.cmpi slt, %select_n3A, %lt3A_177 : i32
      %ne3A_179 = arith.xori %lt3A_176, %lt3A_178 : i1
      %and3A = arith.andi %ne3A_179, %ne3A_175 : i1
      %add3A_180 = arith.addi %rem3A, %select_n3A : i32
      %select_n3A_181 = arith.select %and3A, %add3A_180, %rem3A : i32
      %broadcast_in_dim3A_182 = vector.broadcast %select_n3A_181 : i32 to vector<16xi32>
      %add3A_183 = arith.addi %gather3A, %iota3A : vector<16xi32>
      %add3A_184 = arith.constant 0 : i32
      %add3A_185 = vector.broadcast %add3A_184 : i32 to vector<16xi32>
      %add3A_186 = arith.addi %add3A_183, %add3A_185 : vector<16xi32>
      %gather3A_187 = tpu.vector_load_idx %arg11[%broadcast_in_dim3A_182, %add3A_186] : memref<32x600xf32, #tpu.memory_space<vmem>>[vector<16xi32>, vector<16xi32>], vector<16xf32>,
      %jit3A_188 = arith.constant 32 : i32
      %eq3A_189 = arith.constant 0 : i32
      %eq3A_190 = arith.cmpi eq, %jit3A_188, %eq3A_189 : i32
      %jit3A_191 = arith.constant 1 : i32
      %select_n3A_192 = arith.select %eq3A_190, %jit3A_191, %jit3A_188 : i32
      %rem3A_193 = arith.remsi %scan3A_172, %select_n3A_192 : i32
      %ne3A_194 = arith.constant 0 : i32
      %ne3A_195 = arith.cmpi ne, %rem3A_193, %ne3A_194 : i32
      %lt3A_196 = arith.constant 0 : i32
      %lt3A_197 = arith.cmpi slt, %rem3A_193, %lt3A_196 : i32
      %lt3A_198 = arith.constant 0 : i32
      %lt3A_199 = arith.cmpi slt, %select_n3A_192, %lt3A_198 : i32
      %ne3A_200 = arith.xori %lt3A_197, %lt3A_199 : i1
      %and3A_201 = arith.andi %ne3A_200, %ne3A_195 : i1
      %add3A_202 = arith.addi %rem3A_193, %select_n3A_192 : i32
      %select_n3A_203 = arith.select %and3A_201, %add3A_202, %rem3A_193 : i32
      %mul3A_204 = arith.constant 300 : i32
      %mul3A_205 = arith.muli %select_n3A_203, %mul3A_204 : i32
      %add3A_206 = arith.constant 0 : i32
      %add3A_207 = arith.addi %mul3A_205, %add3A_206 : i32
      %add3A_208 = vector.broadcast %add3A_207 : i32 to vector<16xi32>
      %add3A_209 = arith.addi %add3A_208, %iota3A : vector<16xi32>
      tpu.vector_store_idx %arg15[%add3A_209], %gather3A_187 : memref<9600xf32, #tpu.memory_space<vmem>>[vector<16xi32>], vector<16xf32>,
      %add3A_210 = arith.constant 16 : i32
      %add3A_211 = vector.broadcast %add3A_210 : i32 to vector<16xi32>
      %add3A_212 = arith.addi %add3A_183, %add3A_211 : vector<16xi32>
      %gather3A_213 = tpu.vector_load_idx %arg11[%broadcast_in_dim3A_182, %add3A_212] : memref<32x600xf32, #tpu.memory_space<vmem>>[vector<16xi32>, vector<16xi32>], vector<16xf32>,
      %jit3A_214 = arith.constant 32 : i32
      %eq3A_215 = arith.constant 0 : i32
      %eq3A_216 = arith.cmpi eq, %jit3A_214, %eq3A_215 : i32
      %jit3A_217 = arith.constant 1 : i32
      %select_n3A_218 = arith.select %eq3A_216, %jit3A_217, %jit3A_214 : i32
      %rem3A_219 = arith.remsi %scan3A_172, %select_n3A_218 : i32
      %ne3A_220 = arith.constant 0 : i32
      %ne3A_221 = arith.cmpi ne, %rem3A_219, %ne3A_220 : i32
      %lt3A_222 = arith.constant 0 : i32
      %lt3A_223 = arith.cmpi slt, %rem3A_219, %lt3A_222 : i32
      %lt3A_224 = arith.constant 0 : i32
      %lt3A_225 = arith.cmpi slt, %select_n3A_218, %lt3A_224 : i32
      %ne3A_226 = arith.xori %lt3A_223, %lt3A_225 : i1
      %and3A_227 = arith.andi %ne3A_226, %ne3A_221 : i1
      %add3A_228 = arith.addi %rem3A_219, %select_n3A_218 : i32
      %select_n3A_229 = arith.select %and3A_227, %add3A_228, %rem3A_219 : i32
      %mul3A_230 = arith.constant 300 : i32
      %mul3A_231 = arith.muli %select_n3A_229, %mul3A_230 : i32
      %add3A_232 = arith.constant 16 : i32
      %add3A_233 = arith.addi %mul3A_231, %add3A_232 : i32
      %add3A_234 = vector.broadcast %add3A_233 : i32 to vector<16xi32>
      %add3A_235 = arith.addi %add3A_234, %iota3A : vector<16xi32>
      tpu.vector_store_idx %arg15[%add3A_235], %gather3A_213 : memref<9600xf32, #tpu.memory_space<vmem>>[vector<16xi32>], vector<16xf32>,
    }
    %scan3A_100 = arith.constant 32 : i32
    %dma_start3A_101 = arith.constant 224 : i32
    %dma_start3A_102 = tpu.memref_slice %arg6[%dma_start3A_101] : memref<6400xi32, #tpu.memory_space<vmem>> -> memref<32xi32, #tpu.memory_space<vmem>>
    %dma_start3A_103 = arith.constant 0 : i32
    %dma_start3A_104 = arith.constant 0 : i32
    %dma_start3A_105 = tpu.memref_slice %arg4[%dma_start3A_103, %dma_start3A_104] : memref<500000x600xf32, #tpu.memory_space<hbm>> -> memref<500000x600xf32, #tpu.memory_space<hbm>>
    tpu.enqueue_indirect_dma source(%dma_start3A_105 : memref<500000x600xf32, #tpu.memory_space<hbm>>) target(%arg11 : memref<32x600xf32, #tpu.memory_space<vmem>>) offsets(%dma_start3A_102 : memref<32xi32, #tpu.memory_space<vmem>>) semaphore(%arg19 : memref<!tpu.dma_semaphore, #tpu.memory_space<semaphore_mem>>)
    %mul3A_106 = arith.constant 6400 : i32
    %mul3A_107 = arith.muli %add3A, %mul3A_106 : i32
    %add3A_108 = arith.constant 96 : i32
    %add3A_109 = arith.addi %mul3A_107, %add3A_108 : i32
    %mul3A_110 = arith.constant 300 : i32
    %mul3A_111 = arith.muli %add3A_109, %mul3A_110 : i32
    %dma_start3A_112 = tpu.memref_slice %arg5[%mul3A_111] : memref<61440000xf32, #tpu.memory_space<hbm>> -> memref<9600xf32, #tpu.memory_space<hbm>>
    %dma_start3A_113 = tpu.memref_slice %arg5[%mul3A_111] : memref<61440000xf32, #tpu.memory_space<hbm>> -> memref<9600xf32, #tpu.memory_space<hbm>>
    tpu.enqueue_dma source(%arg15 : memref<9600xf32, #tpu.memory_space<vmem>>) target(%dma_start3A_113 : memref<9600xf32, #tpu.memory_space<hbm>>) target_semaphore(%arg23 : memref<!tpu.dma_semaphore, #tpu.memory_space<semaphore_mem>>)
    %scan3A_114 = arith.constant 0 : i32
    %scan3A_115 = arith.constant 0 : i32
    %scan3A_116 = arith.constant 49 : i32
    %scan3A_117 = arith.addi %scan3A_115, %scan3A_116 : i32
    %scan3A_118 = arith.constant 1 : i32
    scf.for %scan3A_172 = %scan3A_115 to %scan3A_117 step %scan3A_118  : i32 {
      %mul3A_173 = arith.constant 4 : i32
      %mul3A_174 = arith.muli %mul3A_173, %scan3A_172 : i32
      %add3A_175 = arith.constant 4 : i32
      %add3A_176 = arith.addi %mul3A_174, %add3A_175 : i32
      %add3A_177 = arith.constant 0 : i32
      %add3A_178 = arith.addi %add3A_176, %add3A_177 : i32
      %mul3A_179 = arith.constant 32 : i32
      %mul3A_180 = arith.muli %add3A_178, %mul3A_179 : i32
      %dma_wait3A_181 = tpu.memref_slice %arg6[%mul3A_180] : memref<6400xi32, #tpu.memory_space<vmem>> -> memref<32xi32, #tpu.memory_space<vmem>>
      %dma_wait3A_182 = arith.constant 0 : i32
      %dma_wait3A_183 = arith.constant 0 : i32
      %dma_wait3A_184 = tpu.memref_slice %arg4[%dma_wait3A_182, %dma_wait3A_183] : memref<500000x600xf32, #tpu.memory_space<hbm>> -> memref<500000x600xf32, #tpu.memory_space<hbm>>
      tpu.wait_indirect_dma semaphore(%arg16 : memref<!tpu.dma_semaphore, #tpu.memory_space<semaphore_mem>>) src(%dma_wait3A_184 : memref<500000x600xf32, #tpu.memory_space<hbm>>) dst(%arg8 : memref<32x600xf32, #tpu.memory_space<vmem>>)
      %sub3A = arith.constant 4 : i32
      %sub3A_185 = arith.subi %add3A_178, %sub3A : i32
      %mul3A_186 = arith.constant 6400 : i32
      %mul3A_187 = arith.muli %add3A, %mul3A_186 : i32
      %mul3A_188 = arith.constant 32 : i32
      %mul3A_189 = arith.muli %sub3A_185, %mul3A_188 : i32
      %add3A_190 = arith.addi %mul3A_187, %mul3A_189 : i32
      %mul3A_191 = arith.constant 300 : i32
      %mul3A_192 = arith.muli %add3A_190, %mul3A_191 : i32
      %dma_wait3A_193 = tpu.memref_slice %arg5[%mul3A_192] : memref<61440000xf32, #tpu.memory_space<hbm>> -> memref<9600xf32, #tpu.memory_space<hbm>>
      %dma_wait3A_194 = tpu.memref_slice %arg5[%mul3A_192] : memref<61440000xf32, #tpu.memory_space<hbm>> -> memref<9600xf32, #tpu.memory_space<hbm>>
      tpu.wait_dma2 semaphore(%arg20 : memref<!tpu.dma_semaphore, #tpu.memory_space<semaphore_mem>>) src(%arg12 : memref<9600xf32, #tpu.memory_space<vmem>>) dst(%dma_wait3A_194 : memref<9600xf32, #tpu.memory_space<hbm>>)
      %mul3A_195 = arith.constant 32 : i32
      %mul3A_196 = arith.muli %add3A_178, %mul3A_195 : i32
      %add3A_197 = arith.constant 1 : i32
      %add3A_198 = arith.addi %add3A_178, %add3A_197 : i32
      %mul3A_199 = arith.constant 32 : i32
      %mul3A_200 = arith.muli %add3A_198, %mul3A_199 : i32
      %while3A = arith.constant 0 : i32
      %while3A_201 = arith.subi %mul3A_200, %mul3A_196 : i32
      %while3A_202 = arith.addi %mul3A_196, %while3A_201 : i32
      %while3A_203 = arith.constant 1 : i32
      %while3A_204 = arith.divsi %while3A_201, %while3A_203 : i32
      %while3A_205 = arith.muli %while3A_204, %while3A_203 : i32
      %while3A_206 = arith.addi %mul3A_196, %while3A_205 : i32
      %while3A_207 = arith.constant 1 : i32
      scf.for %while3A_386 = %mul3A_196 to %while3A_206 step %while3A_207  : i32 {
        %broadcast_in_dim3A = vector.broadcast %while3A_386 : i32 to vector<16xi32>
        %gather3A = tpu.vector_load_idx %arg7[%broadcast_in_dim3A] : memref<6400xi32, #tpu.memory_space<vmem>>[vector<16xi32>], vector<16xi32>,
        %jit3A = arith.constant 32 : i32
        %eq3A = arith.constant 0 : i32
        %eq3A_387 = arith.cmpi eq, %jit3A, %eq3A : i32
        %jit3A_388 = arith.constant 1 : i32
        %select_n3A = arith.select %eq3A_387, %jit3A_388, %jit3A : i32
        %rem3A = arith.remsi %while3A_386, %select_n3A : i32
        %ne3A = arith.constant 0 : i32
        %ne3A_389 = arith.cmpi ne, %rem3A, %ne3A : i32
        %lt3A = arith.constant 0 : i32
        %lt3A_390 = arith.cmpi slt, %rem3A, %lt3A : i32
        %lt3A_391 = arith.constant 0 : i32
        %lt3A_392 = arith.cmpi slt, %select_n3A, %lt3A_391 : i32
        %ne3A_393 = arith.xori %lt3A_390, %lt3A_392 : i1
        %and3A = arith.andi %ne3A_393, %ne3A_389 : i1
        %add3A_394 = arith.addi %rem3A, %select_n3A : i32
        %select_n3A_395 = arith.select %and3A, %add3A_394, %rem3A : i32
        %broadcast_in_dim3A_396 = vector.broadcast %select_n3A_395 : i32 to vector<16xi32>
        %add3A_397 = arith.addi %gather3A, %iota3A : vector<16xi32>
        %add3A_398 = arith.constant 0 : i32
        %add3A_399 = vector.broadcast %add3A_398 : i32 to vector<16xi32>
        %add3A_400 = arith.addi %add3A_397, %add3A_399 : vector<16xi32>
        %gather3A_401 = tpu.vector_load_idx %arg8[%broadcast_in_dim3A_396, %add3A_400] : memref<32x600xf32, #tpu.memory_space<vmem>>[vector<16xi32>, vector<16xi32>], vector<16xf32>,
        %jit3A_402 = arith.constant 32 : i32
        %eq3A_403 = arith.constant 0 : i32
        %eq3A_404 = arith.cmpi eq, %jit3A_402, %eq3A_403 : i32
        %jit3A_405 = arith.constant 1 : i32
        %select_n3A_406 = arith.select %eq3A_404, %jit3A_405, %jit3A_402 : i32
        %rem3A_407 = arith.remsi %while3A_386, %select_n3A_406 : i32
        %ne3A_408 = arith.constant 0 : i32
        %ne3A_409 = arith.cmpi ne, %rem3A_407, %ne3A_408 : i32
        %lt3A_410 = arith.constant 0 : i32
        %lt3A_411 = arith.cmpi slt, %rem3A_407, %lt3A_410 : i32
        %lt3A_412 = arith.constant 0 : i32
        %lt3A_413 = arith.cmpi slt, %select_n3A_406, %lt3A_412 : i32
        %ne3A_414 = arith.xori %lt3A_411, %lt3A_413 : i1
        %and3A_415 = arith.andi %ne3A_414, %ne3A_409 : i1
        %add3A_416 = arith.addi %rem3A_407, %select_n3A_406 : i32
        %select_n3A_417 = arith.select %and3A_415, %add3A_416, %rem3A_407 : i32
        %mul3A_418 = arith.constant 300 : i32
        %mul3A_419 = arith.muli %select_n3A_417, %mul3A_418 : i32
        %add3A_420 = arith.constant 0 : i32
        %add3A_421 = arith.addi %mul3A_419, %add3A_420 : i32
        %add3A_422 = vector.broadcast %add3A_421 : i32 to vector<16xi32>
        %add3A_423 = arith.addi %add3A_422, %iota3A : vector<16xi32>
        tpu.vector_store_idx %arg12[%add3A_423], %gather3A_401 : memref<9600xf32, #tpu.memory_space<vmem>>[vector<16xi32>], vector<16xf32>,
        %add3A_424 = arith.constant 16 : i32
        %add3A_425 = vector.broadcast %add3A_424 : i32 to vector<16xi32>
        %add3A_426 = arith.addi %add3A_397, %add3A_425 : vector<16xi32>
        %gather3A_427 = tpu.vector_load_idx %arg8[%broadcast_in_dim3A_396, %add3A_426] : memref<32x600xf32, #tpu.memory_space<vmem>>[vector<16xi32>, vector<16xi32>], vector<16xf32>,
        %jit3A_428 = arith.constant 32 : i32
        %eq3A_429 = arith.constant 0 : i32
        %eq3A_430 = arith.cmpi eq, %jit3A_428, %eq3A_429 : i32
        %jit3A_431 = arith.constant 1 : i32
        %select_n3A_432 = arith.select %eq3A_430, %jit3A_431, %jit3A_428 : i32
        %rem3A_433 = arith.remsi %while3A_386, %select_n3A_432 : i32
        %ne3A_434 = arith.constant 0 : i32
        %ne3A_435 = arith.cmpi ne, %rem3A_433, %ne3A_434 : i32
        %lt3A_436 = arith.constant 0 : i32
        %lt3A_437 = arith.cmpi slt, %rem3A_433, %lt3A_436 : i32
        %lt3A_438 = arith.constant 0 : i32
        %lt3A_439 = arith.cmpi slt, %select_n3A_432, %lt3A_438 : i32
        %ne3A_440 = arith.xori %lt3A_437, %lt3A_439 : i1
        %and3A_441 = arith.andi %ne3A_440, %ne3A_435 : i1
        %add3A_442 = arith.addi %rem3A_433, %select_n3A_432 : i32
        %select_n3A_443 = arith.select %and3A_441, %add3A_442, %rem3A_433 : i32
        %mul3A_444 = arith.constant 300 : i32
        %mul3A_445 = arith.muli %select_n3A_443, %mul3A_444 : i32
        %add3A_446 = arith.constant 16 : i32
        %add3A_447 = arith.addi %mul3A_445, %add3A_446 : i32
        %add3A_448 = vector.broadcast %add3A_447 : i32 to vector<16xi32>
        %add3A_449 = arith.addi %add3A_448, %iota3A : vector<16xi32>
        tpu.vector_store_idx %arg12[%add3A_449], %gather3A_427 : memref<9600xf32, #tpu.memory_space<vmem>>[vector<16xi32>], vector<16xf32>,
      }
      %while3A_208 = arith.constant 1 : i32
      scf.for %while3A_386 = %while3A_206 to %while3A_202 step %while3A_208  : i32 {
        %broadcast_in_dim3A = vector.broadcast %while3A_386 : i32 to vector<16xi32>
        %gather3A = tpu.vector_load_idx %arg7[%broadcast_in_dim3A] : memref<6400xi32, #tpu.memory_space<vmem>>[vector<16xi32>], vector<16xi32>,
        %jit3A = arith.constant 32 : i32
        %eq3A = arith.constant 0 : i32
        %eq3A_387 = arith.cmpi eq, %jit3A, %eq3A : i32
        %jit3A_388 = arith.constant 1 : i32
        %select_n3A = arith.select %eq3A_387, %jit3A_388, %jit3A : i32
        %rem3A = arith.remsi %while3A_386, %select_n3A : i32
        %ne3A = arith.constant 0 : i32
        %ne3A_389 = arith.cmpi ne, %rem3A, %ne3A : i32
        %lt3A = arith.constant 0 : i32
        %lt3A_390 = arith.cmpi slt, %rem3A, %lt3A : i32
        %lt3A_391 = arith.constant 0 : i32
        %lt3A_392 = arith.cmpi slt, %select_n3A, %lt3A_391 : i32
        %ne3A_393 = arith.xori %lt3A_390, %lt3A_392 : i1
        %and3A = arith.andi %ne3A_393, %ne3A_389 : i1
        %add3A_394 = arith.addi %rem3A, %select_n3A : i32
        %select_n3A_395 = arith.select %and3A, %add3A_394, %rem3A : i32
        %broadcast_in_dim3A_396 = vector.broadcast %select_n3A_395 : i32 to vector<16xi32>
        %add3A_397 = arith.addi %gather3A, %iota3A : vector<16xi32>
        %add3A_398 = arith.constant 0 : i32
        %add3A_399 = vector.broadcast %add3A_398 : i32 to vector<16xi32>
        %add3A_400 = arith.addi %add3A_397, %add3A_399 : vector<16xi32>
        %gather3A_401 = tpu.vector_load_idx %arg8[%broadcast_in_dim3A_396, %add3A_400] : memref<32x600xf32, #tpu.memory_space<vmem>>[vector<16xi32>, vector<16xi32>], vector<16xf32>,
        %jit3A_402 = arith.constant 32 : i32
        %eq3A_403 = arith.constant 0 : i32
        %eq3A_404 = arith.cmpi eq, %jit3A_402, %eq3A_403 : i32
        %jit3A_405 = arith.constant 1 : i32
        %select_n3A_406 = arith.select %eq3A_404, %jit3A_405, %jit3A_402 : i32
        %rem3A_407 = arith.remsi %while3A_386, %select_n3A_406 : i32
        %ne3A_408 = arith.constant 0 : i32
        %ne3A_409 = arith.cmpi ne, %rem3A_407, %ne3A_408 : i32
        %lt3A_410 = arith.constant 0 : i32
        %lt3A_411 = arith.cmpi slt, %rem3A_407, %lt3A_410 : i32
        %lt3A_412 = arith.constant 0 : i32
        %lt3A_413 = arith.cmpi slt, %select_n3A_406, %lt3A_412 : i32
        %ne3A_414 = arith.xori %lt3A_411, %lt3A_413 : i1
        %and3A_415 = arith.andi %ne3A_414, %ne3A_409 : i1
        %add3A_416 = arith.addi %rem3A_407, %select_n3A_406 : i32
        %select_n3A_417 = arith.select %and3A_415, %add3A_416, %rem3A_407 : i32
        %mul3A_418 = arith.constant 300 : i32
        %mul3A_419 = arith.muli %select_n3A_417, %mul3A_418 : i32
        %add3A_420 = arith.constant 0 : i32
        %add3A_421 = arith.addi %mul3A_419, %add3A_420 : i32
        %add3A_422 = vector.broadcast %add3A_421 : i32 to vector<16xi32>
        %add3A_423 = arith.addi %add3A_422, %iota3A : vector<16xi32>
        tpu.vector_store_idx %arg12[%add3A_423], %gather3A_401 : memref<9600xf32, #tpu.memory_space<vmem>>[vector<16xi32>], vector<16xf32>,
        %add3A_424 = arith.constant 16 : i32
        %add3A_425 = vector.broadcast %add3A_424 : i32 to vector<16xi32>
        %add3A_426 = arith.addi %add3A_397, %add3A_425 : vector<16xi32>
        %gather3A_427 = tpu.vector_load_idx %arg8[%broadcast_in_dim3A_396, %add3A_426] : memref<32x600xf32, #tpu.memory_space<vmem>>[vector<16xi32>, vector<16xi32>], vector<16xf32>,
        %jit3A_428 = arith.constant 32 : i32
        %eq3A_429 = arith.constant 0 : i32
        %eq3A_430 = arith.cmpi eq, %jit3A_428, %eq3A_429 : i32
        %jit3A_431 = arith.constant 1 : i32
        %select_n3A_432 = arith.select %eq3A_430, %jit3A_431, %jit3A_428 : i32
        %rem3A_433 = arith.remsi %while3A_386, %select_n3A_432 : i32
        %ne3A_434 = arith.constant 0 : i32
        %ne3A_435 = arith.cmpi ne, %rem3A_433, %ne3A_434 : i32
        %lt3A_436 = arith.constant 0 : i32
        %lt3A_437 = arith.cmpi slt, %rem3A_433, %lt3A_436 : i32
        %lt3A_438 = arith.constant 0 : i32
        %lt3A_439 = arith.cmpi slt, %select_n3A_432, %lt3A_438 : i32
        %ne3A_440 = arith.xori %lt3A_437, %lt3A_439 : i1
        %and3A_441 = arith.andi %ne3A_440, %ne3A_435 : i1
        %add3A_442 = arith.addi %rem3A_433, %select_n3A_432 : i32
        %select_n3A_443 = arith.select %and3A_441, %add3A_442, %rem3A_433 : i32
        %mul3A_444 = arith.constant 300 : i32
        %mul3A_445 = arith.muli %select_n3A_443, %mul3A_444 : i32
        %add3A_446 = arith.constant 16 : i32
        %add3A_447 = arith.addi %mul3A_445, %add3A_446 : i32
        %add3A_448 = vector.broadcast %add3A_447 : i32 to vector<16xi32>
        %add3A_449 = arith.addi %add3A_448, %iota3A : vector<16xi32>
        tpu.vector_store_idx %arg12[%add3A_449], %gather3A_427 : memref<9600xf32, #tpu.memory_space<vmem>>[vector<16xi32>], vector<16xf32>,
      }
      %add3A_209 = arith.constant 4 : i32
      %add3A_210 = arith.addi %add3A_178, %add3A_209 : i32
      %min3A = arith.constant 199 : i32
      %min3A_211 = arith.minsi %add3A_210, %min3A : i32
      %mul3A_212 = arith.constant 32 : i32
      %mul3A_213 = arith.muli %min3A_211, %mul3A_212 : i32
      %dma_start3A_214 = tpu.memref_slice %arg6[%mul3A_213] : memref<6400xi32, #tpu.memory_space<vmem>> -> memref<32xi32, #tpu.memory_space<vmem>>
      %dma_start3A_215 = arith.constant 0 : i32
      %dma_start3A_216 = arith.constant 0 : i32
      %dma_start3A_217 = tpu.memref_slice %arg4[%dma_start3A_215, %dma_start3A_216] : memref<500000x600xf32, #tpu.memory_space<hbm>> -> memref<500000x600xf32, #tpu.memory_space<hbm>>
      tpu.enqueue_indirect_dma source(%dma_start3A_217 : memref<500000x600xf32, #tpu.memory_space<hbm>>) target(%arg8 : memref<32x600xf32, #tpu.memory_space<vmem>>) offsets(%dma_start3A_214 : memref<32xi32, #tpu.memory_space<vmem>>) semaphore(%arg16 : memref<!tpu.dma_semaphore, #tpu.memory_space<semaphore_mem>>)
      %mul3A_218 = arith.constant 6400 : i32
      %mul3A_219 = arith.muli %add3A, %mul3A_218 : i32
      %mul3A_220 = arith.constant 32 : i32
      %mul3A_221 = arith.muli %add3A_178, %mul3A_220 : i32
      %add3A_222 = arith.addi %mul3A_219, %mul3A_221 : i32
      %mul3A_223 = arith.constant 300 : i32
      %mul3A_224 = arith.muli %add3A_222, %mul3A_223 : i32
      %dma_start3A_225 = tpu.memref_slice %arg5[%mul3A_224] : memref<61440000xf32, #tpu.memory_space<hbm>> -> memref<9600xf32, #tpu.memory_space<hbm>>
      %dma_start3A_226 = tpu.memref_slice %arg5[%mul3A_224] : memref<61440000xf32, #tpu.memory_space<hbm>> -> memref<9600xf32, #tpu.memory_space<hbm>>
      tpu.enqueue_dma source(%arg12 : memref<9600xf32, #tpu.memory_space<vmem>>) target(%dma_start3A_226 : memref<9600xf32, #tpu.memory_space<hbm>>) target_semaphore(%arg20 : memref<!tpu.dma_semaphore, #tpu.memory_space<semaphore_mem>>)
      %add3A_227 = arith.constant 1 : i32
      %add3A_228 = arith.addi %add3A_176, %add3A_227 : i32
      %mul3A_229 = arith.constant 32 : i32
      %mul3A_230 = arith.muli %add3A_228, %mul3A_229 : i32
      %dma_wait3A_231 = tpu.memref_slice %arg6[%mul3A_230] : memref<6400xi32, #tpu.memory_space<vmem>> -> memref<32xi32, #tpu.memory_space<vmem>>
      %dma_wait3A_232 = arith.constant 0 : i32
      %dma_wait3A_233 = arith.constant 0 : i32
      %dma_wait3A_234 = tpu.memref_slice %arg4[%dma_wait3A_232, %dma_wait3A_233] : memref<500000x600xf32, #tpu.memory_space<hbm>> -> memref<500000x600xf32, #tpu.memory_space<hbm>>
      tpu.wait_indirect_dma semaphore(%arg17 : memref<!tpu.dma_semaphore, #tpu.memory_space<semaphore_mem>>) src(%dma_wait3A_234 : memref<500000x600xf32, #tpu.memory_space<hbm>>) dst(%arg9 : memref<32x600xf32, #tpu.memory_space<vmem>>)
      %sub3A_235 = arith.constant 4 : i32
      %sub3A_236 = arith.subi %add3A_228, %sub3A_235 : i32
      %mul3A_237 = arith.constant 6400 : i32
      %mul3A_238 = arith.muli %add3A, %mul3A_237 : i32
      %mul3A_239 = arith.constant 32 : i32
      %mul3A_240 = arith.muli %sub3A_236, %mul3A_239 : i32
      %add3A_241 = arith.addi %mul3A_238, %mul3A_240 : i32
      %mul3A_242 = arith.constant 300 : i32
      %mul3A_243 = arith.muli %add3A_241, %mul3A_242 : i32
      %dma_wait3A_244 = tpu.memref_slice %arg5[%mul3A_243] : memref<61440000xf32, #tpu.memory_space<hbm>> -> memref<9600xf32, #tpu.memory_space<hbm>>
      %dma_wait3A_245 = tpu.memref_slice %arg5[%mul3A_243] : memref<61440000xf32, #tpu.memory_space<hbm>> -> memref<9600xf32, #tpu.memory_space<hbm>>
      tpu.wait_dma2 semaphore(%arg21 : memref<!tpu.dma_semaphore, #tpu.memory_space<semaphore_mem>>) src(%arg13 : memref<9600xf32, #tpu.memory_space<vmem>>) dst(%dma_wait3A_245 : memref<9600xf32, #tpu.memory_space<hbm>>)
      %mul3A_246 = arith.constant 32 : i32
      %mul3A_247 = arith.muli %add3A_228, %mul3A_246 : i32
      %add3A_248 = arith.constant 1 : i32
      %add3A_249 = arith.addi %add3A_228, %add3A_248 : i32
      %mul3A_250 = arith.constant 32 : i32
      %mul3A_251 = arith.muli %add3A_249, %mul3A_250 : i32
      %while3A_252 = arith.constant 0 : i32
      %while3A_253 = arith.subi %mul3A_251, %mul3A_247 : i32
      %while3A_254 = arith.addi %mul3A_247, %while3A_253 : i32
      %while3A_255 = arith.constant 1 : i32
      %while3A_256 = arith.divsi %while3A_253, %while3A_255 : i32
      %while3A_257 = arith.muli %while3A_256, %while3A_255 : i32
      %while3A_258 = arith.addi %mul3A_247, %while3A_257 : i32
      %while3A_259 = arith.constant 1 : i32
      scf.for %while3A_386 = %mul3A_247 to %while3A_258 step %while3A_259  : i32 {
        %broadcast_in_dim3A = vector.broadcast %while3A_386 : i32 to vector<16xi32>
        %gather3A = tpu.vector_load_idx %arg7[%broadcast_in_dim3A] : memref<6400xi32, #tpu.memory_space<vmem>>[vector<16xi32>], vector<16xi32>,
        %jit3A = arith.constant 32 : i32
        %eq3A = arith.constant 0 : i32
        %eq3A_387 = arith.cmpi eq, %jit3A, %eq3A : i32
        %jit3A_388 = arith.constant 1 : i32
        %select_n3A = arith.select %eq3A_387, %jit3A_388, %jit3A : i32
        %rem3A = arith.remsi %while3A_386, %select_n3A : i32
        %ne3A = arith.constant 0 : i32
        %ne3A_389 = arith.cmpi ne, %rem3A, %ne3A : i32
        %lt3A = arith.constant 0 : i32
        %lt3A_390 = arith.cmpi slt, %rem3A, %lt3A : i32
        %lt3A_391 = arith.constant 0 : i32
        %lt3A_392 = arith.cmpi slt, %select_n3A, %lt3A_391 : i32
        %ne3A_393 = arith.xori %lt3A_390, %lt3A_392 : i1
        %and3A = arith.andi %ne3A_393, %ne3A_389 : i1
        %add3A_394 = arith.addi %rem3A, %select_n3A : i32
        %select_n3A_395 = arith.select %and3A, %add3A_394, %rem3A : i32
        %broadcast_in_dim3A_396 = vector.broadcast %select_n3A_395 : i32 to vector<16xi32>
        %add3A_397 = arith.addi %gather3A, %iota3A : vector<16xi32>
        %add3A_398 = arith.constant 0 : i32
        %add3A_399 = vector.broadcast %add3A_398 : i32 to vector<16xi32>
        %add3A_400 = arith.addi %add3A_397, %add3A_399 : vector<16xi32>
        %gather3A_401 = tpu.vector_load_idx %arg9[%broadcast_in_dim3A_396, %add3A_400] : memref<32x600xf32, #tpu.memory_space<vmem>>[vector<16xi32>, vector<16xi32>], vector<16xf32>,
        %jit3A_402 = arith.constant 32 : i32
        %eq3A_403 = arith.constant 0 : i32
        %eq3A_404 = arith.cmpi eq, %jit3A_402, %eq3A_403 : i32
        %jit3A_405 = arith.constant 1 : i32
        %select_n3A_406 = arith.select %eq3A_404, %jit3A_405, %jit3A_402 : i32
        %rem3A_407 = arith.remsi %while3A_386, %select_n3A_406 : i32
        %ne3A_408 = arith.constant 0 : i32
        %ne3A_409 = arith.cmpi ne, %rem3A_407, %ne3A_408 : i32
        %lt3A_410 = arith.constant 0 : i32
        %lt3A_411 = arith.cmpi slt, %rem3A_407, %lt3A_410 : i32
        %lt3A_412 = arith.constant 0 : i32
        %lt3A_413 = arith.cmpi slt, %select_n3A_406, %lt3A_412 : i32
        %ne3A_414 = arith.xori %lt3A_411, %lt3A_413 : i1
        %and3A_415 = arith.andi %ne3A_414, %ne3A_409 : i1
        %add3A_416 = arith.addi %rem3A_407, %select_n3A_406 : i32
        %select_n3A_417 = arith.select %and3A_415, %add3A_416, %rem3A_407 : i32
        %mul3A_418 = arith.constant 300 : i32
        %mul3A_419 = arith.muli %select_n3A_417, %mul3A_418 : i32
        %add3A_420 = arith.constant 0 : i32
        %add3A_421 = arith.addi %mul3A_419, %add3A_420 : i32
        %add3A_422 = vector.broadcast %add3A_421 : i32 to vector<16xi32>
        %add3A_423 = arith.addi %add3A_422, %iota3A : vector<16xi32>
        tpu.vector_store_idx %arg13[%add3A_423], %gather3A_401 : memref<9600xf32, #tpu.memory_space<vmem>>[vector<16xi32>], vector<16xf32>,
        %add3A_424 = arith.constant 16 : i32
        %add3A_425 = vector.broadcast %add3A_424 : i32 to vector<16xi32>
        %add3A_426 = arith.addi %add3A_397, %add3A_425 : vector<16xi32>
        %gather3A_427 = tpu.vector_load_idx %arg9[%broadcast_in_dim3A_396, %add3A_426] : memref<32x600xf32, #tpu.memory_space<vmem>>[vector<16xi32>, vector<16xi32>], vector<16xf32>,
        %jit3A_428 = arith.constant 32 : i32
        %eq3A_429 = arith.constant 0 : i32
        %eq3A_430 = arith.cmpi eq, %jit3A_428, %eq3A_429 : i32
        %jit3A_431 = arith.constant 1 : i32
        %select_n3A_432 = arith.select %eq3A_430, %jit3A_431, %jit3A_428 : i32
        %rem3A_433 = arith.remsi %while3A_386, %select_n3A_432 : i32
        %ne3A_434 = arith.constant 0 : i32
        %ne3A_435 = arith.cmpi ne, %rem3A_433, %ne3A_434 : i32
        %lt3A_436 = arith.constant 0 : i32
        %lt3A_437 = arith.cmpi slt, %rem3A_433, %lt3A_436 : i32
        %lt3A_438 = arith.constant 0 : i32
        %lt3A_439 = arith.cmpi slt, %select_n3A_432, %lt3A_438 : i32
        %ne3A_440 = arith.xori %lt3A_437, %lt3A_439 : i1
        %and3A_441 = arith.andi %ne3A_440, %ne3A_435 : i1
        %add3A_442 = arith.addi %rem3A_433, %select_n3A_432 : i32
        %select_n3A_443 = arith.select %and3A_441, %add3A_442, %rem3A_433 : i32
        %mul3A_444 = arith.constant 300 : i32
        %mul3A_445 = arith.muli %select_n3A_443, %mul3A_444 : i32
        %add3A_446 = arith.constant 16 : i32
        %add3A_447 = arith.addi %mul3A_445, %add3A_446 : i32
        %add3A_448 = vector.broadcast %add3A_447 : i32 to vector<16xi32>
        %add3A_449 = arith.addi %add3A_448, %iota3A : vector<16xi32>
        tpu.vector_store_idx %arg13[%add3A_449], %gather3A_427 : memref<9600xf32, #tpu.memory_space<vmem>>[vector<16xi32>], vector<16xf32>,
      }
      %while3A_260 = arith.constant 1 : i32
      scf.for %while3A_386 = %while3A_258 to %while3A_254 step %while3A_260  : i32 {
        %broadcast_in_dim3A = vector.broadcast %while3A_386 : i32 to vector<16xi32>
        %gather3A = tpu.vector_load_idx %arg7[%broadcast_in_dim3A] : memref<6400xi32, #tpu.memory_space<vmem>>[vector<16xi32>], vector<16xi32>,
        %jit3A = arith.constant 32 : i32
        %eq3A = arith.constant 0 : i32
        %eq3A_387 = arith.cmpi eq, %jit3A, %eq3A : i32
        %jit3A_388 = arith.constant 1 : i32
        %select_n3A = arith.select %eq3A_387, %jit3A_388, %jit3A : i32
        %rem3A = arith.remsi %while3A_386, %select_n3A : i32
        %ne3A = arith.constant 0 : i32
        %ne3A_389 = arith.cmpi ne, %rem3A, %ne3A : i32
        %lt3A = arith.constant 0 : i32
        %lt3A_390 = arith.cmpi slt, %rem3A, %lt3A : i32
        %lt3A_391 = arith.constant 0 : i32
        %lt3A_392 = arith.cmpi slt, %select_n3A, %lt3A_391 : i32
        %ne3A_393 = arith.xori %lt3A_390, %lt3A_392 : i1
        %and3A = arith.andi %ne3A_393, %ne3A_389 : i1
        %add3A_394 = arith.addi %rem3A, %select_n3A : i32
        %select_n3A_395 = arith.select %and3A, %add3A_394, %rem3A : i32
        %broadcast_in_dim3A_396 = vector.broadcast %select_n3A_395 : i32 to vector<16xi32>
        %add3A_397 = arith.addi %gather3A, %iota3A : vector<16xi32>
        %add3A_398 = arith.constant 0 : i32
        %add3A_399 = vector.broadcast %add3A_398 : i32 to vector<16xi32>
        %add3A_400 = arith.addi %add3A_397, %add3A_399 : vector<16xi32>
        %gather3A_401 = tpu.vector_load_idx %arg9[%broadcast_in_dim3A_396, %add3A_400] : memref<32x600xf32, #tpu.memory_space<vmem>>[vector<16xi32>, vector<16xi32>], vector<16xf32>,
        %jit3A_402 = arith.constant 32 : i32
        %eq3A_403 = arith.constant 0 : i32
        %eq3A_404 = arith.cmpi eq, %jit3A_402, %eq3A_403 : i32
        %jit3A_405 = arith.constant 1 : i32
        %select_n3A_406 = arith.select %eq3A_404, %jit3A_405, %jit3A_402 : i32
        %rem3A_407 = arith.remsi %while3A_386, %select_n3A_406 : i32
        %ne3A_408 = arith.constant 0 : i32
        %ne3A_409 = arith.cmpi ne, %rem3A_407, %ne3A_408 : i32
        %lt3A_410 = arith.constant 0 : i32
        %lt3A_411 = arith.cmpi slt, %rem3A_407, %lt3A_410 : i32
        %lt3A_412 = arith.constant 0 : i32
        %lt3A_413 = arith.cmpi slt, %select_n3A_406, %lt3A_412 : i32
        %ne3A_414 = arith.xori %lt3A_411, %lt3A_413 : i1
        %and3A_415 = arith.andi %ne3A_414, %ne3A_409 : i1
        %add3A_416 = arith.addi %rem3A_407, %select_n3A_406 : i32
        %select_n3A_417 = arith.select %and3A_415, %add3A_416, %rem3A_407 : i32
        %mul3A_418 = arith.constant 300 : i32
        %mul3A_419 = arith.muli %select_n3A_417, %mul3A_418 : i32
        %add3A_420 = arith.constant 0 : i32
        %add3A_421 = arith.addi %mul3A_419, %add3A_420 : i32
        %add3A_422 = vector.broadcast %add3A_421 : i32 to vector<16xi32>
        %add3A_423 = arith.addi %add3A_422, %iota3A : vector<16xi32>
        tpu.vector_store_idx %arg13[%add3A_423], %gather3A_401 : memref<9600xf32, #tpu.memory_space<vmem>>[vector<16xi32>], vector<16xf32>,
        %add3A_424 = arith.constant 16 : i32
        %add3A_425 = vector.broadcast %add3A_424 : i32 to vector<16xi32>
        %add3A_426 = arith.addi %add3A_397, %add3A_425 : vector<16xi32>
        %gather3A_427 = tpu.vector_load_idx %arg9[%broadcast_in_dim3A_396, %add3A_426] : memref<32x600xf32, #tpu.memory_space<vmem>>[vector<16xi32>, vector<16xi32>], vector<16xf32>,
        %jit3A_428 = arith.constant 32 : i32
        %eq3A_429 = arith.constant 0 : i32
        %eq3A_430 = arith.cmpi eq, %jit3A_428, %eq3A_429 : i32
        %jit3A_431 = arith.constant 1 : i32
        %select_n3A_432 = arith.select %eq3A_430, %jit3A_431, %jit3A_428 : i32
        %rem3A_433 = arith.remsi %while3A_386, %select_n3A_432 : i32
        %ne3A_434 = arith.constant 0 : i32
        %ne3A_435 = arith.cmpi ne, %rem3A_433, %ne3A_434 : i32
        %lt3A_436 = arith.constant 0 : i32
        %lt3A_437 = arith.cmpi slt, %rem3A_433, %lt3A_436 : i32
        %lt3A_438 = arith.constant 0 : i32
        %lt3A_439 = arith.cmpi slt, %select_n3A_432, %lt3A_438 : i32
        %ne3A_440 = arith.xori %lt3A_437, %lt3A_439 : i1
        %and3A_441 = arith.andi %ne3A_440, %ne3A_435 : i1
        %add3A_442 = arith.addi %rem3A_433, %select_n3A_432 : i32
        %select_n3A_443 = arith.select %and3A_441, %add3A_442, %rem3A_433 : i32
        %mul3A_444 = arith.constant 300 : i32
        %mul3A_445 = arith.muli %select_n3A_443, %mul3A_444 : i32
        %add3A_446 = arith.constant 16 : i32
        %add3A_447 = arith.addi %mul3A_445, %add3A_446 : i32
        %add3A_448 = vector.broadcast %add3A_447 : i32 to vector<16xi32>
        %add3A_449 = arith.addi %add3A_448, %iota3A : vector<16xi32>
        tpu.vector_store_idx %arg13[%add3A_449], %gather3A_427 : memref<9600xf32, #tpu.memory_space<vmem>>[vector<16xi32>], vector<16xf32>,
      }
      %add3A_261 = arith.constant 4 : i32
      %add3A_262 = arith.addi %add3A_228, %add3A_261 : i32
      %min3A_263 = arith.constant 199 : i32
      %min3A_264 = arith.minsi %add3A_262, %min3A_263 : i32
      %mul3A_265 = arith.constant 32 : i32
      %mul3A_266 = arith.muli %min3A_264, %mul3A_265 : i32
      %dma_start3A_267 = tpu.memref_slice %arg6[%mul3A_266] : memref<6400xi32, #tpu.memory_space<vmem>> -> memref<32xi32, #tpu.memory_space<vmem>>
      %dma_start3A_268 = arith.constant 0 : i32
      %dma_start3A_269 = arith.constant 0 : i32
      %dma_start3A_270 = tpu.memref_slice %arg4[%dma_start3A_268, %dma_start3A_269] : memref<500000x600xf32, #tpu.memory_space<hbm>> -> memref<500000x600xf32, #tpu.memory_space<hbm>>
      tpu.enqueue_indirect_dma source(%dma_start3A_270 : memref<500000x600xf32, #tpu.memory_space<hbm>>) target(%arg9 : memref<32x600xf32, #tpu.memory_space<vmem>>) offsets(%dma_start3A_267 : memref<32xi32, #tpu.memory_space<vmem>>) semaphore(%arg17 : memref<!tpu.dma_semaphore, #tpu.memory_space<semaphore_mem>>)
      %mul3A_271 = arith.constant 6400 : i32
      %mul3A_272 = arith.muli %add3A, %mul3A_271 : i32
      %mul3A_273 = arith.constant 32 : i32
      %mul3A_274 = arith.muli %add3A_228, %mul3A_273 : i32
      %add3A_275 = arith.addi %mul3A_272, %mul3A_274 : i32
      %mul3A_276 = arith.constant 300 : i32
      %mul3A_277 = arith.muli %add3A_275, %mul3A_276 : i32
      %dma_start3A_278 = tpu.memref_slice %arg5[%mul3A_277] : memref<61440000xf32, #tpu.memory_space<hbm>> -> memref<9600xf32, #tpu.memory_space<hbm>>
      %dma_start3A_279 = tpu.memref_slice %arg5[%mul3A_277] : memref<61440000xf32, #tpu.memory_space<hbm>> -> memref<9600xf32, #tpu.memory_space<hbm>>
      tpu.enqueue_dma source(%arg13 : memref<9600xf32, #tpu.memory_space<vmem>>) target(%dma_start3A_279 : memref<9600xf32, #tpu.memory_space<hbm>>) target_semaphore(%arg21 : memref<!tpu.dma_semaphore, #tpu.memory_space<semaphore_mem>>)
      %add3A_280 = arith.constant 2 : i32
      %add3A_281 = arith.addi %add3A_176, %add3A_280 : i32
      %mul3A_282 = arith.constant 32 : i32
      %mul3A_283 = arith.muli %add3A_281, %mul3A_282 : i32
      %dma_wait3A_284 = tpu.memref_slice %arg6[%mul3A_283] : memref<6400xi32, #tpu.memory_space<vmem>> -> memref<32xi32, #tpu.memory_space<vmem>>
      %dma_wait3A_285 = arith.constant 0 : i32
      %dma_wait3A_286 = arith.constant 0 : i32
      %dma_wait3A_287 = tpu.memref_slice %arg4[%dma_wait3A_285, %dma_wait3A_286] : memref<500000x600xf32, #tpu.memory_space<hbm>> -> memref<500000x600xf32, #tpu.memory_space<hbm>>
      tpu.wait_indirect_dma semaphore(%arg18 : memref<!tpu.dma_semaphore, #tpu.memory_space<semaphore_mem>>) src(%dma_wait3A_287 : memref<500000x600xf32, #tpu.memory_space<hbm>>) dst(%arg10 : memref<32x600xf32, #tpu.memory_space<vmem>>)
      %sub3A_288 = arith.constant 4 : i32
      %sub3A_289 = arith.subi %add3A_281, %sub3A_288 : i32
      %mul3A_290 = arith.constant 6400 : i32
      %mul3A_291 = arith.muli %add3A, %mul3A_290 : i32
      %mul3A_292 = arith.constant 32 : i32
      %mul3A_293 = arith.muli %sub3A_289, %mul3A_292 : i32
      %add3A_294 = arith.addi %mul3A_291, %mul3A_293 : i32
      %mul3A_295 = arith.constant 300 : i32
      %mul3A_296 = arith.muli %add3A_294, %mul3A_295 : i32
      %dma_wait3A_297 = tpu.memref_slice %arg5[%mul3A_296] : memref<61440000xf32, #tpu.memory_space<hbm>> -> memref<9600xf32, #tpu.memory_space<hbm>>
      %dma_wait3A_298 = tpu.memref_slice %arg5[%mul3A_296] : memref<61440000xf32, #tpu.memory_space<hbm>> -> memref<9600xf32, #tpu.memory_space<hbm>>
      tpu.wait_dma2 semaphore(%arg22 : memref<!tpu.dma_semaphore, #tpu.memory_space<semaphore_mem>>) src(%arg14 : memref<9600xf32, #tpu.memory_space<vmem>>) dst(%dma_wait3A_298 : memref<9600xf32, #tpu.memory_space<hbm>>)
      %mul3A_299 = arith.constant 32 : i32
      %mul3A_300 = arith.muli %add3A_281, %mul3A_299 : i32
      %add3A_301 = arith.constant 1 : i32
      %add3A_302 = arith.addi %add3A_281, %add3A_301 : i32
      %mul3A_303 = arith.constant 32 : i32
      %mul3A_304 = arith.muli %add3A_302, %mul3A_303 : i32
      %while3A_305 = arith.constant 0 : i32
      %while3A_306 = arith.subi %mul3A_304, %mul3A_300 : i32
      %while3A_307 = arith.addi %mul3A_300, %while3A_306 : i32
      %while3A_308 = arith.constant 1 : i32
      %while3A_309 = arith.divsi %while3A_306, %while3A_308 : i32
      %while3A_310 = arith.muli %while3A_309, %while3A_308 : i32
      %while3A_311 = arith.addi %mul3A_300, %while3A_310 : i32
      %while3A_312 = arith.constant 1 : i32
      scf.for %while3A_386 = %mul3A_300 to %while3A_311 step %while3A_312  : i32 {
        %broadcast_in_dim3A = vector.broadcast %while3A_386 : i32 to vector<16xi32>
        %gather3A = tpu.vector_load_idx %arg7[%broadcast_in_dim3A] : memref<6400xi32, #tpu.memory_space<vmem>>[vector<16xi32>], vector<16xi32>,
        %jit3A = arith.constant 32 : i32
        %eq3A = arith.constant 0 : i32
        %eq3A_387 = arith.cmpi eq, %jit3A, %eq3A : i32
        %jit3A_388 = arith.constant 1 : i32
        %select_n3A = arith.select %eq3A_387, %jit3A_388, %jit3A : i32
        %rem3A = arith.remsi %while3A_386, %select_n3A : i32
        %ne3A = arith.constant 0 : i32
        %ne3A_389 = arith.cmpi ne, %rem3A, %ne3A : i32
        %lt3A = arith.constant 0 : i32
        %lt3A_390 = arith.cmpi slt, %rem3A, %lt3A : i32
        %lt3A_391 = arith.constant 0 : i32
        %lt3A_392 = arith.cmpi slt, %select_n3A, %lt3A_391 : i32
        %ne3A_393 = arith.xori %lt3A_390, %lt3A_392 : i1
        %and3A = arith.andi %ne3A_393, %ne3A_389 : i1
        %add3A_394 = arith.addi %rem3A, %select_n3A : i32
        %select_n3A_395 = arith.select %and3A, %add3A_394, %rem3A : i32
        %broadcast_in_dim3A_396 = vector.broadcast %select_n3A_395 : i32 to vector<16xi32>
        %add3A_397 = arith.addi %gather3A, %iota3A : vector<16xi32>
        %add3A_398 = arith.constant 0 : i32
        %add3A_399 = vector.broadcast %add3A_398 : i32 to vector<16xi32>
        %add3A_400 = arith.addi %add3A_397, %add3A_399 : vector<16xi32>
        %gather3A_401 = tpu.vector_load_idx %arg10[%broadcast_in_dim3A_396, %add3A_400] : memref<32x600xf32, #tpu.memory_space<vmem>>[vector<16xi32>, vector<16xi32>], vector<16xf32>,
        %jit3A_402 = arith.constant 32 : i32
        %eq3A_403 = arith.constant 0 : i32
        %eq3A_404 = arith.cmpi eq, %jit3A_402, %eq3A_403 : i32
        %jit3A_405 = arith.constant 1 : i32
        %select_n3A_406 = arith.select %eq3A_404, %jit3A_405, %jit3A_402 : i32
        %rem3A_407 = arith.remsi %while3A_386, %select_n3A_406 : i32
        %ne3A_408 = arith.constant 0 : i32
        %ne3A_409 = arith.cmpi ne, %rem3A_407, %ne3A_408 : i32
        %lt3A_410 = arith.constant 0 : i32
        %lt3A_411 = arith.cmpi slt, %rem3A_407, %lt3A_410 : i32
        %lt3A_412 = arith.constant 0 : i32
        %lt3A_413 = arith.cmpi slt, %select_n3A_406, %lt3A_412 : i32
        %ne3A_414 = arith.xori %lt3A_411, %lt3A_413 : i1
        %and3A_415 = arith.andi %ne3A_414, %ne3A_409 : i1
        %add3A_416 = arith.addi %rem3A_407, %select_n3A_406 : i32
        %select_n3A_417 = arith.select %and3A_415, %add3A_416, %rem3A_407 : i32
        %mul3A_418 = arith.constant 300 : i32
        %mul3A_419 = arith.muli %select_n3A_417, %mul3A_418 : i32
        %add3A_420 = arith.constant 0 : i32
        %add3A_421 = arith.addi %mul3A_419, %add3A_420 : i32
        %add3A_422 = vector.broadcast %add3A_421 : i32 to vector<16xi32>
        %add3A_423 = arith.addi %add3A_422, %iota3A : vector<16xi32>
        tpu.vector_store_idx %arg14[%add3A_423], %gather3A_401 : memref<9600xf32, #tpu.memory_space<vmem>>[vector<16xi32>], vector<16xf32>,
        %add3A_424 = arith.constant 16 : i32
        %add3A_425 = vector.broadcast %add3A_424 : i32 to vector<16xi32>
        %add3A_426 = arith.addi %add3A_397, %add3A_425 : vector<16xi32>
        %gather3A_427 = tpu.vector_load_idx %arg10[%broadcast_in_dim3A_396, %add3A_426] : memref<32x600xf32, #tpu.memory_space<vmem>>[vector<16xi32>, vector<16xi32>], vector<16xf32>,
        %jit3A_428 = arith.constant 32 : i32
        %eq3A_429 = arith.constant 0 : i32
        %eq3A_430 = arith.cmpi eq, %jit3A_428, %eq3A_429 : i32
        %jit3A_431 = arith.constant 1 : i32
        %select_n3A_432 = arith.select %eq3A_430, %jit3A_431, %jit3A_428 : i32
        %rem3A_433 = arith.remsi %while3A_386, %select_n3A_432 : i32
        %ne3A_434 = arith.constant 0 : i32
        %ne3A_435 = arith.cmpi ne, %rem3A_433, %ne3A_434 : i32
        %lt3A_436 = arith.constant 0 : i32
        %lt3A_437 = arith.cmpi slt, %rem3A_433, %lt3A_436 : i32
        %lt3A_438 = arith.constant 0 : i32
        %lt3A_439 = arith.cmpi slt, %select_n3A_432, %lt3A_438 : i32
        %ne3A_440 = arith.xori %lt3A_437, %lt3A_439 : i1
        %and3A_441 = arith.andi %ne3A_440, %ne3A_435 : i1
        %add3A_442 = arith.addi %rem3A_433, %select_n3A_432 : i32
        %select_n3A_443 = arith.select %and3A_441, %add3A_442, %rem3A_433 : i32
        %mul3A_444 = arith.constant 300 : i32
        %mul3A_445 = arith.muli %select_n3A_443, %mul3A_444 : i32
        %add3A_446 = arith.constant 16 : i32
        %add3A_447 = arith.addi %mul3A_445, %add3A_446 : i32
        %add3A_448 = vector.broadcast %add3A_447 : i32 to vector<16xi32>
        %add3A_449 = arith.addi %add3A_448, %iota3A : vector<16xi32>
        tpu.vector_store_idx %arg14[%add3A_449], %gather3A_427 : memref<9600xf32, #tpu.memory_space<vmem>>[vector<16xi32>], vector<16xf32>,
      }
      %while3A_313 = arith.constant 1 : i32
      scf.for %while3A_386 = %while3A_311 to %while3A_307 step %while3A_313  : i32 {
        %broadcast_in_dim3A = vector.broadcast %while3A_386 : i32 to vector<16xi32>
        %gather3A = tpu.vector_load_idx %arg7[%broadcast_in_dim3A] : memref<6400xi32, #tpu.memory_space<vmem>>[vector<16xi32>], vector<16xi32>,
        %jit3A = arith.constant 32 : i32
        %eq3A = arith.constant 0 : i32
        %eq3A_387 = arith.cmpi eq, %jit3A, %eq3A : i32
        %jit3A_388 = arith.constant 1 : i32
        %select_n3A = arith.select %eq3A_387, %jit3A_388, %jit3A : i32
        %rem3A = arith.remsi %while3A_386, %select_n3A : i32
        %ne3A = arith.constant 0 : i32
        %ne3A_389 = arith.cmpi ne, %rem3A, %ne3A : i32
        %lt3A = arith.constant 0 : i32
        %lt3A_390 = arith.cmpi slt, %rem3A, %lt3A : i32
        %lt3A_391 = arith.constant 0 : i32
        %lt3A_392 = arith.cmpi slt, %select_n3A, %lt3A_391 : i32
        %ne3A_393 = arith.xori %lt3A_390, %lt3A_392 : i1
        %and3A = arith.andi %ne3A_393, %ne3A_389 : i1
        %add3A_394 = arith.addi %rem3A, %select_n3A : i32
        %select_n3A_395 = arith.select %and3A, %add3A_394, %rem3A : i32
        %broadcast_in_dim3A_396 = vector.broadcast %select_n3A_395 : i32 to vector<16xi32>
        %add3A_397 = arith.addi %gather3A, %iota3A : vector<16xi32>
        %add3A_398 = arith.constant 0 : i32
        %add3A_399 = vector.broadcast %add3A_398 : i32 to vector<16xi32>
        %add3A_400 = arith.addi %add3A_397, %add3A_399 : vector<16xi32>
        %gather3A_401 = tpu.vector_load_idx %arg10[%broadcast_in_dim3A_396, %add3A_400] : memref<32x600xf32, #tpu.memory_space<vmem>>[vector<16xi32>, vector<16xi32>], vector<16xf32>,
        %jit3A_402 = arith.constant 32 : i32
        %eq3A_403 = arith.constant 0 : i32
        %eq3A_404 = arith.cmpi eq, %jit3A_402, %eq3A_403 : i32
        %jit3A_405 = arith.constant 1 : i32
        %select_n3A_406 = arith.select %eq3A_404, %jit3A_405, %jit3A_402 : i32
        %rem3A_407 = arith.remsi %while3A_386, %select_n3A_406 : i32
        %ne3A_408 = arith.constant 0 : i32
        %ne3A_409 = arith.cmpi ne, %rem3A_407, %ne3A_408 : i32
        %lt3A_410 = arith.constant 0 : i32
        %lt3A_411 = arith.cmpi slt, %rem3A_407, %lt3A_410 : i32
        %lt3A_412 = arith.constant 0 : i32
        %lt3A_413 = arith.cmpi slt, %select_n3A_406, %lt3A_412 : i32
        %ne3A_414 = arith.xori %lt3A_411, %lt3A_413 : i1
        %and3A_415 = arith.andi %ne3A_414, %ne3A_409 : i1
        %add3A_416 = arith.addi %rem3A_407, %select_n3A_406 : i32
        %select_n3A_417 = arith.select %and3A_415, %add3A_416, %rem3A_407 : i32
        %mul3A_418 = arith.constant 300 : i32
        %mul3A_419 = arith.muli %select_n3A_417, %mul3A_418 : i32
        %add3A_420 = arith.constant 0 : i32
        %add3A_421 = arith.addi %mul3A_419, %add3A_420 : i32
        %add3A_422 = vector.broadcast %add3A_421 : i32 to vector<16xi32>
        %add3A_423 = arith.addi %add3A_422, %iota3A : vector<16xi32>
        tpu.vector_store_idx %arg14[%add3A_423], %gather3A_401 : memref<9600xf32, #tpu.memory_space<vmem>>[vector<16xi32>], vector<16xf32>,
        %add3A_424 = arith.constant 16 : i32
        %add3A_425 = vector.broadcast %add3A_424 : i32 to vector<16xi32>
        %add3A_426 = arith.addi %add3A_397, %add3A_425 : vector<16xi32>
        %gather3A_427 = tpu.vector_load_idx %arg10[%broadcast_in_dim3A_396, %add3A_426] : memref<32x600xf32, #tpu.memory_space<vmem>>[vector<16xi32>, vector<16xi32>], vector<16xf32>,
        %jit3A_428 = arith.constant 32 : i32
        %eq3A_429 = arith.constant 0 : i32
        %eq3A_430 = arith.cmpi eq, %jit3A_428, %eq3A_429 : i32
        %jit3A_431 = arith.constant 1 : i32
        %select_n3A_432 = arith.select %eq3A_430, %jit3A_431, %jit3A_428 : i32
        %rem3A_433 = arith.remsi %while3A_386, %select_n3A_432 : i32
        %ne3A_434 = arith.constant 0 : i32
        %ne3A_435 = arith.cmpi ne, %rem3A_433, %ne3A_434 : i32
        %lt3A_436 = arith.constant 0 : i32
        %lt3A_437 = arith.cmpi slt, %rem3A_433, %lt3A_436 : i32
        %lt3A_438 = arith.constant 0 : i32
        %lt3A_439 = arith.cmpi slt, %select_n3A_432, %lt3A_438 : i32
        %ne3A_440 = arith.xori %lt3A_437, %lt3A_439 : i1
        %and3A_441 = arith.andi %ne3A_440, %ne3A_435 : i1
        %add3A_442 = arith.addi %rem3A_433, %select_n3A_432 : i32
        %select_n3A_443 = arith.select %and3A_441, %add3A_442, %rem3A_433 : i32
        %mul3A_444 = arith.constant 300 : i32
        %mul3A_445 = arith.muli %select_n3A_443, %mul3A_444 : i32
        %add3A_446 = arith.constant 16 : i32
        %add3A_447 = arith.addi %mul3A_445, %add3A_446 : i32
        %add3A_448 = vector.broadcast %add3A_447 : i32 to vector<16xi32>
        %add3A_449 = arith.addi %add3A_448, %iota3A : vector<16xi32>
        tpu.vector_store_idx %arg14[%add3A_449], %gather3A_427 : memref<9600xf32, #tpu.memory_space<vmem>>[vector<16xi32>], vector<16xf32>,
      }
      %add3A_314 = arith.constant 4 : i32
      %add3A_315 = arith.addi %add3A_281, %add3A_314 : i32
      %min3A_316 = arith.constant 199 : i32
      %min3A_317 = arith.minsi %add3A_315, %min3A_316 : i32
      %mul3A_318 = arith.constant 32 : i32
      %mul3A_319 = arith.muli %min3A_317, %mul3A_318 : i32
      %dma_start3A_320 = tpu.memref_slice %arg6[%mul3A_319] : memref<6400xi32, #tpu.memory_space<vmem>> -> memref<32xi32, #tpu.memory_space<vmem>>
      %dma_start3A_321 = arith.constant 0 : i32
      %dma_start3A_322 = arith.constant 0 : i32
      %dma_start3A_323 = tpu.memref_slice %arg4[%dma_start3A_321, %dma_start3A_322] : memref<500000x600xf32, #tpu.memory_space<hbm>> -> memref<500000x600xf32, #tpu.memory_space<hbm>>
      tpu.enqueue_indirect_dma source(%dma_start3A_323 : memref<500000x600xf32, #tpu.memory_space<hbm>>) target(%arg10 : memref<32x600xf32, #tpu.memory_space<vmem>>) offsets(%dma_start3A_320 : memref<32xi32, #tpu.memory_space<vmem>>) semaphore(%arg18 : memref<!tpu.dma_semaphore, #tpu.memory_space<semaphore_mem>>)
      %mul3A_324 = arith.constant 6400 : i32
      %mul3A_325 = arith.muli %add3A, %mul3A_324 : i32
      %mul3A_326 = arith.constant 32 : i32
      %mul3A_327 = arith.muli %add3A_281, %mul3A_326 : i32
      %add3A_328 = arith.addi %mul3A_325, %mul3A_327 : i32
      %mul3A_329 = arith.constant 300 : i32
      %mul3A_330 = arith.muli %add3A_328, %mul3A_329 : i32
      %dma_start3A_331 = tpu.memref_slice %arg5[%mul3A_330] : memref<61440000xf32, #tpu.memory_space<hbm>> -> memref<9600xf32, #tpu.memory_space<hbm>>
      %dma_start3A_332 = tpu.memref_slice %arg5[%mul3A_330] : memref<61440000xf32, #tpu.memory_space<hbm>> -> memref<9600xf32, #tpu.memory_space<hbm>>
      tpu.enqueue_dma source(%arg14 : memref<9600xf32, #tpu.memory_space<vmem>>) target(%dma_start3A_332 : memref<9600xf32, #tpu.memory_space<hbm>>) target_semaphore(%arg22 : memref<!tpu.dma_semaphore, #tpu.memory_space<semaphore_mem>>)
      %add3A_333 = arith.constant 3 : i32
      %add3A_334 = arith.addi %add3A_176, %add3A_333 : i32
      %mul3A_335 = arith.constant 32 : i32
      %mul3A_336 = arith.muli %add3A_334, %mul3A_335 : i32
      %dma_wait3A_337 = tpu.memref_slice %arg6[%mul3A_336] : memref<6400xi32, #tpu.memory_space<vmem>> -> memref<32xi32, #tpu.memory_space<vmem>>
      %dma_wait3A_338 = arith.constant 0 : i32
      %dma_wait3A_339 = arith.constant 0 : i32
      %dma_wait3A_340 = tpu.memref_slice %arg4[%dma_wait3A_338, %dma_wait3A_339] : memref<500000x600xf32, #tpu.memory_space<hbm>> -> memref<500000x600xf32, #tpu.memory_space<hbm>>
      tpu.wait_indirect_dma semaphore(%arg19 : memref<!tpu.dma_semaphore, #tpu.memory_space<semaphore_mem>>) src(%dma_wait3A_340 : memref<500000x600xf32, #tpu.memory_space<hbm>>) dst(%arg11 : memref<32x600xf32, #tpu.memory_space<vmem>>)
      %sub3A_341 = arith.constant 4 : i32
      %sub3A_342 = arith.subi %add3A_334, %sub3A_341 : i32
      %mul3A_343 = arith.constant 6400 : i32
      %mul3A_344 = arith.muli %add3A, %mul3A_343 : i32
      %mul3A_345 = arith.constant 32 : i32
      %mul3A_346 = arith.muli %sub3A_342, %mul3A_345 : i32
      %add3A_347 = arith.addi %mul3A_344, %mul3A_346 : i32
      %mul3A_348 = arith.constant 300 : i32
      %mul3A_349 = arith.muli %add3A_347, %mul3A_348 : i32
      %dma_wait3A_350 = tpu.memref_slice %arg5[%mul3A_349] : memref<61440000xf32, #tpu.memory_space<hbm>> -> memref<9600xf32, #tpu.memory_space<hbm>>
      %dma_wait3A_351 = tpu.memref_slice %arg5[%mul3A_349] : memref<61440000xf32, #tpu.memory_space<hbm>> -> memref<9600xf32, #tpu.memory_space<hbm>>
      tpu.wait_dma2 semaphore(%arg23 : memref<!tpu.dma_semaphore, #tpu.memory_space<semaphore_mem>>) src(%arg15 : memref<9600xf32, #tpu.memory_space<vmem>>) dst(%dma_wait3A_351 : memref<9600xf32, #tpu.memory_space<hbm>>)
      %mul3A_352 = arith.constant 32 : i32
      %mul3A_353 = arith.muli %add3A_334, %mul3A_352 : i32
      %add3A_354 = arith.constant 1 : i32
      %add3A_355 = arith.addi %add3A_334, %add3A_354 : i32
      %mul3A_356 = arith.constant 32 : i32
      %mul3A_357 = arith.muli %add3A_355, %mul3A_356 : i32
      %while3A_358 = arith.constant 0 : i32
      %while3A_359 = arith.subi %mul3A_357, %mul3A_353 : i32
      %while3A_360 = arith.addi %mul3A_353, %while3A_359 : i32
      %while3A_361 = arith.constant 1 : i32
      %while3A_362 = arith.divsi %while3A_359, %while3A_361 : i32
      %while3A_363 = arith.muli %while3A_362, %while3A_361 : i32
      %while3A_364 = arith.addi %mul3A_353, %while3A_363 : i32
      %while3A_365 = arith.constant 1 : i32
      scf.for %while3A_386 = %mul3A_353 to %while3A_364 step %while3A_365  : i32 {
        %broadcast_in_dim3A = vector.broadcast %while3A_386 : i32 to vector<16xi32>
        %gather3A = tpu.vector_load_idx %arg7[%broadcast_in_dim3A] : memref<6400xi32, #tpu.memory_space<vmem>>[vector<16xi32>], vector<16xi32>,
        %jit3A = arith.constant 32 : i32
        %eq3A = arith.constant 0 : i32
        %eq3A_387 = arith.cmpi eq, %jit3A, %eq3A : i32
        %jit3A_388 = arith.constant 1 : i32
        %select_n3A = arith.select %eq3A_387, %jit3A_388, %jit3A : i32
        %rem3A = arith.remsi %while3A_386, %select_n3A : i32
        %ne3A = arith.constant 0 : i32
        %ne3A_389 = arith.cmpi ne, %rem3A, %ne3A : i32
        %lt3A = arith.constant 0 : i32
        %lt3A_390 = arith.cmpi slt, %rem3A, %lt3A : i32
        %lt3A_391 = arith.constant 0 : i32
        %lt3A_392 = arith.cmpi slt, %select_n3A, %lt3A_391 : i32
        %ne3A_393 = arith.xori %lt3A_390, %lt3A_392 : i1
        %and3A = arith.andi %ne3A_393, %ne3A_389 : i1
        %add3A_394 = arith.addi %rem3A, %select_n3A : i32
        %select_n3A_395 = arith.select %and3A, %add3A_394, %rem3A : i32
        %broadcast_in_dim3A_396 = vector.broadcast %select_n3A_395 : i32 to vector<16xi32>
        %add3A_397 = arith.addi %gather3A, %iota3A : vector<16xi32>
        %add3A_398 = arith.constant 0 : i32
        %add3A_399 = vector.broadcast %add3A_398 : i32 to vector<16xi32>
        %add3A_400 = arith.addi %add3A_397, %add3A_399 : vector<16xi32>
        %gather3A_401 = tpu.vector_load_idx %arg11[%broadcast_in_dim3A_396, %add3A_400] : memref<32x600xf32, #tpu.memory_space<vmem>>[vector<16xi32>, vector<16xi32>], vector<16xf32>,
        %jit3A_402 = arith.constant 32 : i32
        %eq3A_403 = arith.constant 0 : i32
        %eq3A_404 = arith.cmpi eq, %jit3A_402, %eq3A_403 : i32
        %jit3A_405 = arith.constant 1 : i32
        %select_n3A_406 = arith.select %eq3A_404, %jit3A_405, %jit3A_402 : i32
        %rem3A_407 = arith.remsi %while3A_386, %select_n3A_406 : i32
        %ne3A_408 = arith.constant 0 : i32
        %ne3A_409 = arith.cmpi ne, %rem3A_407, %ne3A_408 : i32
        %lt3A_410 = arith.constant 0 : i32
        %lt3A_411 = arith.cmpi slt, %rem3A_407, %lt3A_410 : i32
        %lt3A_412 = arith.constant 0 : i32
        %lt3A_413 = arith.cmpi slt, %select_n3A_406, %lt3A_412 : i32
        %ne3A_414 = arith.xori %lt3A_411, %lt3A_413 : i1
        %and3A_415 = arith.andi %ne3A_414, %ne3A_409 : i1
        %add3A_416 = arith.addi %rem3A_407, %select_n3A_406 : i32
        %select_n3A_417 = arith.select %and3A_415, %add3A_416, %rem3A_407 : i32
        %mul3A_418 = arith.constant 300 : i32
        %mul3A_419 = arith.muli %select_n3A_417, %mul3A_418 : i32
        %add3A_420 = arith.constant 0 : i32
        %add3A_421 = arith.addi %mul3A_419, %add3A_420 : i32
        %add3A_422 = vector.broadcast %add3A_421 : i32 to vector<16xi32>
        %add3A_423 = arith.addi %add3A_422, %iota3A : vector<16xi32>
        tpu.vector_store_idx %arg15[%add3A_423], %gather3A_401 : memref<9600xf32, #tpu.memory_space<vmem>>[vector<16xi32>], vector<16xf32>,
        %add3A_424 = arith.constant 16 : i32
        %add3A_425 = vector.broadcast %add3A_424 : i32 to vector<16xi32>
        %add3A_426 = arith.addi %add3A_397, %add3A_425 : vector<16xi32>
        %gather3A_427 = tpu.vector_load_idx %arg11[%broadcast_in_dim3A_396, %add3A_426] : memref<32x600xf32, #tpu.memory_space<vmem>>[vector<16xi32>, vector<16xi32>], vector<16xf32>,
        %jit3A_428 = arith.constant 32 : i32
        %eq3A_429 = arith.constant 0 : i32
        %eq3A_430 = arith.cmpi eq, %jit3A_428, %eq3A_429 : i32
        %jit3A_431 = arith.constant 1 : i32
        %select_n3A_432 = arith.select %eq3A_430, %jit3A_431, %jit3A_428 : i32
        %rem3A_433 = arith.remsi %while3A_386, %select_n3A_432 : i32
        %ne3A_434 = arith.constant 0 : i32
        %ne3A_435 = arith.cmpi ne, %rem3A_433, %ne3A_434 : i32
        %lt3A_436 = arith.constant 0 : i32
        %lt3A_437 = arith.cmpi slt, %rem3A_433, %lt3A_436 : i32
        %lt3A_438 = arith.constant 0 : i32
        %lt3A_439 = arith.cmpi slt, %select_n3A_432, %lt3A_438 : i32
        %ne3A_440 = arith.xori %lt3A_437, %lt3A_439 : i1
        %and3A_441 = arith.andi %ne3A_440, %ne3A_435 : i1
        %add3A_442 = arith.addi %rem3A_433, %select_n3A_432 : i32
        %select_n3A_443 = arith.select %and3A_441, %add3A_442, %rem3A_433 : i32
        %mul3A_444 = arith.constant 300 : i32
        %mul3A_445 = arith.muli %select_n3A_443, %mul3A_444 : i32
        %add3A_446 = arith.constant 16 : i32
        %add3A_447 = arith.addi %mul3A_445, %add3A_446 : i32
        %add3A_448 = vector.broadcast %add3A_447 : i32 to vector<16xi32>
        %add3A_449 = arith.addi %add3A_448, %iota3A : vector<16xi32>
        tpu.vector_store_idx %arg15[%add3A_449], %gather3A_427 : memref<9600xf32, #tpu.memory_space<vmem>>[vector<16xi32>], vector<16xf32>,
      }
      %while3A_366 = arith.constant 1 : i32
      scf.for %while3A_386 = %while3A_364 to %while3A_360 step %while3A_366  : i32 {
        %broadcast_in_dim3A = vector.broadcast %while3A_386 : i32 to vector<16xi32>
        %gather3A = tpu.vector_load_idx %arg7[%broadcast_in_dim3A] : memref<6400xi32, #tpu.memory_space<vmem>>[vector<16xi32>], vector<16xi32>,
        %jit3A = arith.constant 32 : i32
        %eq3A = arith.constant 0 : i32
        %eq3A_387 = arith.cmpi eq, %jit3A, %eq3A : i32
        %jit3A_388 = arith.constant 1 : i32
        %select_n3A = arith.select %eq3A_387, %jit3A_388, %jit3A : i32
        %rem3A = arith.remsi %while3A_386, %select_n3A : i32
        %ne3A = arith.constant 0 : i32
        %ne3A_389 = arith.cmpi ne, %rem3A, %ne3A : i32
        %lt3A = arith.constant 0 : i32
        %lt3A_390 = arith.cmpi slt, %rem3A, %lt3A : i32
        %lt3A_391 = arith.constant 0 : i32
        %lt3A_392 = arith.cmpi slt, %select_n3A, %lt3A_391 : i32
        %ne3A_393 = arith.xori %lt3A_390, %lt3A_392 : i1
        %and3A = arith.andi %ne3A_393, %ne3A_389 : i1
        %add3A_394 = arith.addi %rem3A, %select_n3A : i32
        %select_n3A_395 = arith.select %and3A, %add3A_394, %rem3A : i32
        %broadcast_in_dim3A_396 = vector.broadcast %select_n3A_395 : i32 to vector<16xi32>
        %add3A_397 = arith.addi %gather3A, %iota3A : vector<16xi32>
        %add3A_398 = arith.constant 0 : i32
        %add3A_399 = vector.broadcast %add3A_398 : i32 to vector<16xi32>
        %add3A_400 = arith.addi %add3A_397, %add3A_399 : vector<16xi32>
        %gather3A_401 = tpu.vector_load_idx %arg11[%broadcast_in_dim3A_396, %add3A_400] : memref<32x600xf32, #tpu.memory_space<vmem>>[vector<16xi32>, vector<16xi32>], vector<16xf32>,
        %jit3A_402 = arith.constant 32 : i32
        %eq3A_403 = arith.constant 0 : i32
        %eq3A_404 = arith.cmpi eq, %jit3A_402, %eq3A_403 : i32
        %jit3A_405 = arith.constant 1 : i32
        %select_n3A_406 = arith.select %eq3A_404, %jit3A_405, %jit3A_402 : i32
        %rem3A_407 = arith.remsi %while3A_386, %select_n3A_406 : i32
        %ne3A_408 = arith.constant 0 : i32
        %ne3A_409 = arith.cmpi ne, %rem3A_407, %ne3A_408 : i32
        %lt3A_410 = arith.constant 0 : i32
        %lt3A_411 = arith.cmpi slt, %rem3A_407, %lt3A_410 : i32
        %lt3A_412 = arith.constant 0 : i32
        %lt3A_413 = arith.cmpi slt, %select_n3A_406, %lt3A_412 : i32
        %ne3A_414 = arith.xori %lt3A_411, %lt3A_413 : i1
        %and3A_415 = arith.andi %ne3A_414, %ne3A_409 : i1
        %add3A_416 = arith.addi %rem3A_407, %select_n3A_406 : i32
        %select_n3A_417 = arith.select %and3A_415, %add3A_416, %rem3A_407 : i32
        %mul3A_418 = arith.constant 300 : i32
        %mul3A_419 = arith.muli %select_n3A_417, %mul3A_418 : i32
        %add3A_420 = arith.constant 0 : i32
        %add3A_421 = arith.addi %mul3A_419, %add3A_420 : i32
        %add3A_422 = vector.broadcast %add3A_421 : i32 to vector<16xi32>
        %add3A_423 = arith.addi %add3A_422, %iota3A : vector<16xi32>
        tpu.vector_store_idx %arg15[%add3A_423], %gather3A_401 : memref<9600xf32, #tpu.memory_space<vmem>>[vector<16xi32>], vector<16xf32>,
        %add3A_424 = arith.constant 16 : i32
        %add3A_425 = vector.broadcast %add3A_424 : i32 to vector<16xi32>
        %add3A_426 = arith.addi %add3A_397, %add3A_425 : vector<16xi32>
        %gather3A_427 = tpu.vector_load_idx %arg11[%broadcast_in_dim3A_396, %add3A_426] : memref<32x600xf32, #tpu.memory_space<vmem>>[vector<16xi32>, vector<16xi32>], vector<16xf32>,
        %jit3A_428 = arith.constant 32 : i32
        %eq3A_429 = arith.constant 0 : i32
        %eq3A_430 = arith.cmpi eq, %jit3A_428, %eq3A_429 : i32
        %jit3A_431 = arith.constant 1 : i32
        %select_n3A_432 = arith.select %eq3A_430, %jit3A_431, %jit3A_428 : i32
        %rem3A_433 = arith.remsi %while3A_386, %select_n3A_432 : i32
        %ne3A_434 = arith.constant 0 : i32
        %ne3A_435 = arith.cmpi ne, %rem3A_433, %ne3A_434 : i32
        %lt3A_436 = arith.constant 0 : i32
        %lt3A_437 = arith.cmpi slt, %rem3A_433, %lt3A_436 : i32
        %lt3A_438 = arith.constant 0 : i32
        %lt3A_439 = arith.cmpi slt, %select_n3A_432, %lt3A_438 : i32
        %ne3A_440 = arith.xori %lt3A_437, %lt3A_439 : i1
        %and3A_441 = arith.andi %ne3A_440, %ne3A_435 : i1
        %add3A_442 = arith.addi %rem3A_433, %select_n3A_432 : i32
        %select_n3A_443 = arith.select %and3A_441, %add3A_442, %rem3A_433 : i32
        %mul3A_444 = arith.constant 300 : i32
        %mul3A_445 = arith.muli %select_n3A_443, %mul3A_444 : i32
        %add3A_446 = arith.constant 16 : i32
        %add3A_447 = arith.addi %mul3A_445, %add3A_446 : i32
        %add3A_448 = vector.broadcast %add3A_447 : i32 to vector<16xi32>
        %add3A_449 = arith.addi %add3A_448, %iota3A : vector<16xi32>
        tpu.vector_store_idx %arg15[%add3A_449], %gather3A_427 : memref<9600xf32, #tpu.memory_space<vmem>>[vector<16xi32>], vector<16xf32>,
      }
      %add3A_367 = arith.constant 4 : i32
      %add3A_368 = arith.addi %add3A_334, %add3A_367 : i32
      %min3A_369 = arith.constant 199 : i32
      %min3A_370 = arith.minsi %add3A_368, %min3A_369 : i32
      %mul3A_371 = arith.constant 32 : i32
      %mul3A_372 = arith.muli %min3A_370, %mul3A_371 : i32
      %dma_start3A_373 = tpu.memref_slice %arg6[%mul3A_372] : memref<6400xi32, #tpu.memory_space<vmem>> -> memref<32xi32, #tpu.memory_space<vmem>>
      %dma_start3A_374 = arith.constant 0 : i32
      %dma_start3A_375 = arith.constant 0 : i32
      %dma_start3A_376 = tpu.memref_slice %arg4[%dma_start3A_374, %dma_start3A_375] : memref<500000x600xf32, #tpu.memory_space<hbm>> -> memref<500000x600xf32, #tpu.memory_space<hbm>>
      tpu.enqueue_indirect_dma source(%dma_start3A_376 : memref<500000x600xf32, #tpu.memory_space<hbm>>) target(%arg11 : memref<32x600xf32, #tpu.memory_space<vmem>>) offsets(%dma_start3A_373 : memref<32xi32, #tpu.memory_space<vmem>>) semaphore(%arg19 : memref<!tpu.dma_semaphore, #tpu.memory_space<semaphore_mem>>)
      %mul3A_377 = arith.constant 6400 : i32
      %mul3A_378 = arith.muli %add3A, %mul3A_377 : i32
      %mul3A_379 = arith.constant 32 : i32
      %mul3A_380 = arith.muli %add3A_334, %mul3A_379 : i32
      %add3A_381 = arith.addi %mul3A_378, %mul3A_380 : i32
      %mul3A_382 = arith.constant 300 : i32
      %mul3A_383 = arith.muli %add3A_381, %mul3A_382 : i32
      %dma_start3A_384 = tpu.memref_slice %arg5[%mul3A_383] : memref<61440000xf32, #tpu.memory_space<hbm>> -> memref<9600xf32, #tpu.memory_space<hbm>>
      %dma_start3A_385 = tpu.memref_slice %arg5[%mul3A_383] : memref<61440000xf32, #tpu.memory_space<hbm>> -> memref<9600xf32, #tpu.memory_space<hbm>>
      tpu.enqueue_dma source(%arg15 : memref<9600xf32, #tpu.memory_space<vmem>>) target(%dma_start3A_385 : memref<9600xf32, #tpu.memory_space<hbm>>) target_semaphore(%arg23 : memref<!tpu.dma_semaphore, #tpu.memory_space<semaphore_mem>>)
    }
    %scan3A_119 = arith.constant 49 : i32
    %dma_wait3A_120 = arith.constant 6368 : i32
    %dma_wait3A_121 = tpu.memref_slice %arg6[%dma_wait3A_120] : memref<6400xi32, #tpu.memory_space<vmem>> -> memref<32xi32, #tpu.memory_space<vmem>>
    %dma_wait3A_122 = arith.constant 0 : i32
    %dma_wait3A_123 = arith.constant 0 : i32
    %dma_wait3A_124 = tpu.memref_slice %arg4[%dma_wait3A_122, %dma_wait3A_123] : memref<500000x600xf32, #tpu.memory_space<hbm>> -> memref<500000x600xf32, #tpu.memory_space<hbm>>
    tpu.wait_indirect_dma semaphore(%arg16 : memref<!tpu.dma_semaphore, #tpu.memory_space<semaphore_mem>>) src(%dma_wait3A_124 : memref<500000x600xf32, #tpu.memory_space<hbm>>) dst(%arg8 : memref<32x600xf32, #tpu.memory_space<vmem>>)
    %mul3A_125 = arith.constant 6400 : i32
    %mul3A_126 = arith.muli %add3A, %mul3A_125 : i32
    %add3A_127 = arith.constant 6272 : i32
    %add3A_128 = arith.addi %mul3A_126, %add3A_127 : i32
    %mul3A_129 = arith.constant 300 : i32
    %mul3A_130 = arith.muli %add3A_128, %mul3A_129 : i32
    %dma_wait3A_131 = tpu.memref_slice %arg5[%mul3A_130] : memref<61440000xf32, #tpu.memory_space<hbm>> -> memref<9600xf32, #tpu.memory_space<hbm>>
    %dma_wait3A_132 = tpu.memref_slice %arg5[%mul3A_130] : memref<61440000xf32, #tpu.memory_space<hbm>> -> memref<9600xf32, #tpu.memory_space<hbm>>
    tpu.wait_dma2 semaphore(%arg20 : memref<!tpu.dma_semaphore, #tpu.memory_space<semaphore_mem>>) src(%arg12 : memref<9600xf32, #tpu.memory_space<vmem>>) dst(%dma_wait3A_132 : memref<9600xf32, #tpu.memory_space<hbm>>)
    %dma_wait3A_133 = arith.constant 6368 : i32
    %dma_wait3A_134 = tpu.memref_slice %arg6[%dma_wait3A_133] : memref<6400xi32, #tpu.memory_space<vmem>> -> memref<32xi32, #tpu.memory_space<vmem>>
    %dma_wait3A_135 = arith.constant 0 : i32
    %dma_wait3A_136 = arith.constant 0 : i32
    %dma_wait3A_137 = tpu.memref_slice %arg4[%dma_wait3A_135, %dma_wait3A_136] : memref<500000x600xf32, #tpu.memory_space<hbm>> -> memref<500000x600xf32, #tpu.memory_space<hbm>>
    tpu.wait_indirect_dma semaphore(%arg17 : memref<!tpu.dma_semaphore, #tpu.memory_space<semaphore_mem>>) src(%dma_wait3A_137 : memref<500000x600xf32, #tpu.memory_space<hbm>>) dst(%arg9 : memref<32x600xf32, #tpu.memory_space<vmem>>)
    %mul3A_138 = arith.constant 6400 : i32
    %mul3A_139 = arith.muli %add3A, %mul3A_138 : i32
    %add3A_140 = arith.constant 6304 : i32
    %add3A_141 = arith.addi %mul3A_139, %add3A_140 : i32
    %mul3A_142 = arith.constant 300 : i32
    %mul3A_143 = arith.muli %add3A_141, %mul3A_142 : i32
    %dma_wait3A_144 = tpu.memref_slice %arg5[%mul3A_143] : memref<61440000xf32, #tpu.memory_space<hbm>> -> memref<9600xf32, #tpu.memory_space<hbm>>
    %dma_wait3A_145 = tpu.memref_slice %arg5[%mul3A_143] : memref<61440000xf32, #tpu.memory_space<hbm>> -> memref<9600xf32, #tpu.memory_space<hbm>>
    tpu.wait_dma2 semaphore(%arg21 : memref<!tpu.dma_semaphore, #tpu.memory_space<semaphore_mem>>) src(%arg13 : memref<9600xf32, #tpu.memory_space<vmem>>) dst(%dma_wait3A_145 : memref<9600xf32, #tpu.memory_space<hbm>>)
    %dma_wait3A_146 = arith.constant 6368 : i32
    %dma_wait3A_147 = tpu.memref_slice %arg6[%dma_wait3A_146] : memref<6400xi32, #tpu.memory_space<vmem>> -> memref<32xi32, #tpu.memory_space<vmem>>
    %dma_wait3A_148 = arith.constant 0 : i32
    %dma_wait3A_149 = arith.constant 0 : i32
    %dma_wait3A_150 = tpu.memref_slice %arg4[%dma_wait3A_148, %dma_wait3A_149] : memref<500000x600xf32, #tpu.memory_space<hbm>> -> memref<500000x600xf32, #tpu.memory_space<hbm>>
    tpu.wait_indirect_dma semaphore(%arg18 : memref<!tpu.dma_semaphore, #tpu.memory_space<semaphore_mem>>) src(%dma_wait3A_150 : memref<500000x600xf32, #tpu.memory_space<hbm>>) dst(%arg10 : memref<32x600xf32, #tpu.memory_space<vmem>>)
    %mul3A_151 = arith.constant 6400 : i32
    %mul3A_152 = arith.muli %add3A, %mul3A_151 : i32
    %add3A_153 = arith.constant 6336 : i32
    %add3A_154 = arith.addi %mul3A_152, %add3A_153 : i32
    %mul3A_155 = arith.constant 300 : i32
    %mul3A_156 = arith.muli %add3A_154, %mul3A_155 : i32
    %dma_wait3A_157 = tpu.memref_slice %arg5[%mul3A_156] : memref<61440000xf32, #tpu.memory_space<hbm>> -> memref<9600xf32, #tpu.memory_space<hbm>>
    %dma_wait3A_158 = tpu.memref_slice %arg5[%mul3A_156] : memref<61440000xf32, #tpu.memory_space<hbm>> -> memref<9600xf32, #tpu.memory_space<hbm>>
    tpu.wait_dma2 semaphore(%arg22 : memref<!tpu.dma_semaphore, #tpu.memory_space<semaphore_mem>>) src(%arg14 : memref<9600xf32, #tpu.memory_space<vmem>>) dst(%dma_wait3A_158 : memref<9600xf32, #tpu.memory_space<hbm>>)
    %dma_wait3A_159 = arith.constant 6368 : i32
    %dma_wait3A_160 = tpu.memref_slice %arg6[%dma_wait3A_159] : memref<6400xi32, #tpu.memory_space<vmem>> -> memref<32xi32, #tpu.memory_space<vmem>>
    %dma_wait3A_161 = arith.constant 0 : i32
    %dma_wait3A_162 = arith.constant 0 : i32
    %dma_wait3A_163 = tpu.memref_slice %arg4[%dma_wait3A_161, %dma_wait3A_162] : memref<500000x600xf32, #tpu.memory_space<hbm>> -> memref<500000x600xf32, #tpu.memory_space<hbm>>
    tpu.wait_indirect_dma semaphore(%arg19 : memref<!tpu.dma_semaphore, #tpu.memory_space<semaphore_mem>>) src(%dma_wait3A_163 : memref<500000x600xf32, #tpu.memory_space<hbm>>) dst(%arg11 : memref<32x600xf32, #tpu.memory_space<vmem>>)
    %mul3A_164 = arith.constant 6400 : i32
    %mul3A_165 = arith.muli %add3A, %mul3A_164 : i32
    %add3A_166 = arith.constant 6368 : i32
    %add3A_167 = arith.addi %mul3A_165, %add3A_166 : i32
    %mul3A_168 = arith.constant 300 : i32
    %mul3A_169 = arith.muli %add3A_167, %mul3A_168 : i32
    %dma_wait3A_170 = tpu.memref_slice %arg5[%mul3A_169] : memref<61440000xf32, #tpu.memory_space<hbm>> -> memref<9600xf32, #tpu.memory_space<hbm>>
    %dma_wait3A_171 = tpu.memref_slice %arg5[%mul3A_169] : memref<61440000xf32, #tpu.memory_space<hbm>> -> memref<9600xf32, #tpu.memory_space<hbm>>
    tpu.wait_dma2 semaphore(%arg23 : memref<!tpu.dma_semaphore, #tpu.memory_space<semaphore_mem>>) src(%arg15 : memref<9600xf32, #tpu.memory_space<vmem>>) dst(%dma_wait3A_171 : memref<9600xf32, #tpu.memory_space<hbm>>)
    return
  }
}

</mosaic_0001>

<sc_bundles>
// kernel: kernel.3.cloned.1.call-start
scs
__scs_entry_jumppad:
0x0: {  	(pc) =	sbr.rel $0x88, $3  }
0x1: {  	(tag) =	ssettag $0x0;
	lr =	simm.s32 $0x1  }
0x2: {  	[smem:$0x3F9F] =	sst lr;
	_ =	strace $0xD0000000  }
0x3: {  	_ = 	snop  }
0x4: {  	_ = 	snop  }
0x5: {  	_ = 	snop  }
0x6: {  	_ = 	snop  }
0x7: {  	_ = 	snop  }
__scs_overlays_trampoline_lowered:
0x8: {  	[smem:$0x3FAE] =	sst s0  }
0x9: {  	[smem:$0x3FAF] =	sst s1  }
0xa: {  	[smem:$0x3FB0] =	sst s2  }
0xb: {  	[smem:$0x3FB1] =	sst s3  }
0xc: {  	[smem:$0x3FB2] =	sst s4  }
0xd: {  	[smem:$0x3FB3] =	sst s5  }
0xe: {  	[smem:$0x3FB4] =	sst s6  }
0xf: {  	[smem:$0x3FB5] =	sst s7  }
0x10: {  	[smem:$0x3FB6] =	sst s8  }
0x11: {  	[smem:$0x3FB7] =	sst s9;
	s0 =	simm.s32 @!p0 $0x0  }
0x12: {  	s1 =	sld [smem:$0x3F9D];
	s0 =	simm.s32 @p0 $0x1  }
0x13: {  	[smem:$0x3FB8] =	sst s0;
	s0 =	simm.s32 @!p1 $0x0  }
0x14: {  	s2 =	sld [smem:$0x3F9C];
	s0 =	simm.s32 @p1 $0x1  }
0x15: {  	[smem:$0x3FB9] =	sst s0;
	s0 =	simm.s32 @!p2 $0x0  }
0x16: {  	s3 =	sld [smem:$0x3FDB];
	s0 =	simm.s32 @p2 $0x1  }
0x17: {  	s4 =	simm.s32 $0x1BF5;
	[smem:$0x3FBB] =	sst s0  }
0x18: {  	s0 =	sld [smem:$0x3F9E];
	_ =	swait.ge [sflag:s4], $0x0  }
0x19: {  	s7 =	sld [smem:$0x3F9F]  }
0x1a: {  	s8 =	sadd.s32 $0xFFFFE003, lr  }
0x1b: {  	s9 =	sadd.s32 $0xFFFFFEF7, lr;
	s5 =	simm.s32 $0xFFFFFFFF;
	p2 =	slt.u32 s8, $0xFFFFF086  }
0x1c: {  	p1 =	slt.u32 s9, $0xF7A;
	s5 =	simm.s32 @!p2 $0x0  }
0x1d: {  	s5 =	simm.s32 @p1 $0x1;
	p0 =	seq.s32 s7, s2  }
0x1e: {  	s7 =	smul.u32 @!p0 $0xF7A, s2;
	p2 =	seq.s32 @!p0 s5, $0x0  }
0x1f: {  	s9 =	smul.u32 $0xF7A, s1;
	s8 =	simm.s32 @!p0 $0x1BF5;
	p2 =	por !p2, p0  }
0x20: {  	[sflag:s8] =	ssyncset.s32 @!p0 $0xFFFFF086;
	s6 =	sadd.s32 @!p0 s3, s7;
	s7 =	simm.s32 @!p0 $0x108  }
0x21: {  	s3 =	sadd.s32 s3, s9;
	s6 =	sadd.s32 @!p0 $0x88, s6;
	s7 =	simm.s32 @p2 $0x1082  }
0x22: {  	[simem:s7], [sflag:s8] =	dma.local @!p0 [hbm:s6], $0xF7A  }
0x23: {  	s9 =	sor.u32 $0xD0000000, s2;
	s6 =	simm.s32 $0x108;
	_ =	swait.ge @!p0 [sflag:s8], $0x0  }
0x24: {  	s3 =	sadd.s32 $0x88, s3;
	s6 =	simm.s32 @!p1 $0x1082;
	[sflag:s4] =	ssyncset.s32 $0xFFFFF086  }
0x25: {  	[simem:s6], [sflag:s4] =	dma.local [hbm:s3], $0xF7A  }
0x26: {  	[smem:$0x3F9F] =	sst s1;
	(tag) =	ssettag s2;
	_ =	strace s9  }
0x27: {  	s1 =	sld [smem:$0x3FAF]  }
0x28: {  	s2 =	sld [smem:$0x3FB0]  }
0x29: {  	s4 =	sld [smem:$0x3FB2]  }
0x2a: {  	p0 =	seq.s32 s5, $0x0;
	s5 =	sld [smem:$0x3FB3]  }
0x2b: {  	s6 =	sld [smem:$0x3FB4]  }
0x2c: {  	s7 =	sld [smem:$0x3FB5]  }
0x2d: {  	s3 =	simm.s32 $0x108;
	s8 =	sld [smem:$0x3FB6]  }
0x2e: {  	s3 =	simm.s32 @!p0 $0x1082;
	s9 =	sld [smem:$0x3FB7]  }
0x2f: {  	lr =	sadd.s32 s0, s3;
	s0 =	sld [smem:$0x3FAE]  }
0x30: {  	s3 =	sld [smem:$0x3FB1]  }
0x31: {  	[smem:$0x3FBA] =	sst s10  }
0x32: {  	s10 =	sld [smem:$0x3FB8];
	_ =	sdelay $0x3  }
0x33: {  	p0 =	seq.s32 s10, $0x1;
	s10 =	sld [smem:$0x3FBA];
	_ =	sdelay $0x3  }
0x34: {  	[smem:$0x3FBA] =	sst s10  }
0x35: {  	s10 =	sld [smem:$0x3FB9];
	_ =	sdelay $0x3  }
0x36: {  	p1 =	seq.s32 s10, $0x1;
	s10 =	sld [smem:$0x3FBA];
	_ =	sdelay $0x3  }
0x37: {  	[smem:$0x3FBA] =	sst s10  }
0x38: {  	s10 =	sld [smem:$0x3FBB]  }
0x39: {  	_ = 	snop;
	(pc) =	sbr.ind lr, $3  }
0x3a: {  	_ = 	snop  }
0x3b: {  	_ = 	snop  }
0x3c: {  	p2 =	seq.s32 s10, $0x1;
	s10 =	sld [smem:$0x3FBA]  }
0x3d: {  	_ =	shalt  }
0x3e: {  	_ =	shalt  }
0x3f: {  	_ =	shalt  }
0x40: {  	_ =	shalt  }
0x41: {  	_ =	shalt  }
0x42: {  	_ =	shalt  }
0x43: {  	_ =	shalt  }
0x44: {  	_ =	shalt  }
0x45: {  	_ =	shalt  }
0x46: {  	_ =	shalt  }
0x47: {  	_ =	shalt  }
0x48: {  	_ =	shalt  }
0x49: {  	_ =	shalt  }
0x4a: {  	_ =	shalt  }
0x4b: {  	_ =	shalt  }
0x4c: {  	_ =	shalt  }
0x4d: {  	_ =	shalt  }
0x4e: {  	_ =	shalt  }
0x4f: {  	_ =	shalt  }
0x50: {  	_ =	shalt  }
0x51: {  	_ =	shalt  }
0x52: {  	_ =	shalt  }
0x53: {  	_ =	shalt  }
0x54: {  	_ =	shalt  }
0x55: {  	_ =	shalt  }
0x56: {  	_ =	shalt  }
0x57: {  	_ =	shalt  }
0x58: {  	_ =	shalt  }
0x59: {  	_ =	shalt  }
0x5a: {  	_ =	shalt  }
0x5b: {  	_ =	shalt  }
0x5c: {  	_ =	shalt  }
0x5d: {  	_ =	shalt  }
0x5e: {  	_ =	shalt  }
0x5f: {  	_ =	shalt  }
0x60: {  	_ =	shalt  }
0x61: {  	_ =	shalt  }
0x62: {  	_ =	shalt  }
0x63: {  	_ =	shalt  }
0x64: {  	_ =	shalt  }
0x65: {  	_ =	shalt  }
0x66: {  	_ =	shalt  }
0x67: {  	_ =	shalt  }
0x68: {  	_ =	shalt  }
0x69: {  	_ =	shalt  }
0x6a: {  	_ =	shalt  }
0x6b: {  	_ =	shalt  }
0x6c: {  	_ =	shalt  }
0x6d: {  	_ =	shalt  }
0x6e: {  	_ =	shalt  }
0x6f: {  	_ =	shalt  }
0x70: {  	_ =	shalt  }
0x71: {  	_ =	shalt  }
0x72: {  	_ =	shalt  }
0x73: {  	_ =	shalt  }
0x74: {  	_ =	shalt  }
0x75: {  	_ =	shalt  }
0x76: {  	_ =	shalt  }
0x77: {  	_ =	shalt  }
0x78: {  	_ =	shalt  }
0x79: {  	_ =	shalt  }
0x7a: {  	_ =	shalt  }
0x7b: {  	_ =	shalt  }
0x7c: {  	_ =	shalt  }
0x7d: {  	_ =	shalt  }
0x7e: {  	_ =	shalt  }
0x7f: {  	_ =	shalt  }
0x80: {  	_ =	shalt  }
0x81: {  	_ =	shalt  }
0x82: {  	_ =	shalt  }
0x83: {  	_ =	shalt  }
0x84: {  	_ =	shalt  }
0x85: {  	_ =	shalt  }
0x86: {  	_ =	shalt  }
0x87: {  	_ =	shalt  }
.Lfunc_end0:
.L_simem_size_0:
called_computation.1_lowered:
.L_overlay_start_0:
0x88: {  	s2 =	sld [smem:$0x3FD9]  }
0x89: {  	s3 =	sld [smem:$0x3FFE];
	_ =	sdelay $0x1  }
0x8a: {  	s1 =	srdreg.scid  }
0x8b: {  	s0 =	sand.u32 $0x1, s1  }
0x8c: {  	s17 =	sshll.u32 s0, $0xA;
	s2 =	sadd.s32 s3, s2  }
0x8d: {  	s2 =	sadd.s32 s2, s17  }
0x8e: {  	[smem:$0x3FC6] =	sst s2  }
0x8f: {  	_ = 	snop  }
0x90: {  	s2 =	sld [smem:$0x3FD0];
	(tm) =	ssettm $0x1  }
0x91: {  	s18 =	sld [smem:$0x3FFB];
	_ =	sdelay $0x3  }
0x92: {  	_ =	strace s18  }
0x93: {  	s3 =	sld [smem:$0x3FFC];
	_ =	sdelay $0x3  }
0x94: {  	_ =	strace s3  }
0x95: {  	s3 =	sld [smem:$0x3FFD];
	_ =	sdelay $0x3  }
0x96: {  	_ =	strace s3  }
0x97: {  	_ =	strace $0x8FFFFFFF  }
0x98: {  	s19 =	sld [smem:$0x3FDB];
	_ =	sdelay $0x1  }
0x99: {  	s4 =	simm.s32 $_scs_section_size  }
0x9a: {  	s5 =	simm.s32 $_size__tile_overlayer_lowered;
	s6 =	simm.s32 $_tile_overlayer_lowered  }
0x9b: {  	s22 =	simm.s32 $0x1BFF;
	s21 =	sshll.u32 s6, $0x1;
	s3 =	sadd.s32 s4, s19  }
0x9c: {  	s7 =	simm.s32 $0x0;
	s20 =	sshll.u32 s5, $0x1;
	s5 =	sadd.s32 s21, s3  }
0x9d: {  	[timem:s7], [sflag:s22] =	dma.local [hbm:s5], s20  }
0x9e: {  	_ =	swait.ge [sflag:s22], s20  }
0x9f: {  	s4 =	ssub.s32 $0x0, s20;
	[sflag:s22] =	ssyncset.done $0x0  }
0xa0: {  	[sflag:s22] =	ssyncadd.s32 s4;
	_ =	sdelay $0x1  }
0xa1: {  	s23 =	simm.s32 $0x1B8B  }
0xa2: {  	_ =	swait.ge [sflag:s23], $0x1  }
0xa3: {  	[sflag:s23] =	ssyncset.done $0x0  }
0xa4: {  	s25 =	simm.s32 $0x1B8E;
	s24 =	sld [smem:$0x3FFE];
	[sflag:s23] =	ssyncadd.s32 $0xFFFFFFFF  }
0xa5: {  	s26 =	simm.s32 $execute0_lowered;
	[smem:$0x3FD2] =	sst s25  }
0xa6: {  	s5 =	sshll.u32 s26, $0x1;
	_ =	strace $0x80000046;
	[dreg:$0x1] =	wrdreg $0xFFFFFFFF  }
0xa7: {  	s28 =	simm.s32 $_size_execute0_lowered;
	s3 =	sadd.s32 s3, s5;
	[dreg:$0x0] =	wrdreg $0x0  }
0xa8: {  	s5 =	sshll.u32 s28, $0x1;
	[dreg:$0x2] =	wrdreg s3  }
0xa9: {  	[dreg:$0x3] =	wrdreg s5  }
0xaa: {  	[dreg:$0x4] =	wrdreg $0xC0  }
0xab: {  	_ =	task [dreg:s7], $0x5FFFF  }
0xac: {  	[dreg:$0x1] =	wrdreg $0xFFFFFFFF  }
0xad: {  	[dreg:$0x0] =	wrdreg $0x60  }
0xae: {  	[dreg:$0x2] =	wrdreg s24  }
0xaf: {  	[dreg:$0x3] =	wrdreg s2  }
0xb0: {  	[dreg:$0x4] =	wrdreg $0x9  }
0xb1: {  	_ =	task.clear_ibuf [dreg:s7], $0x5FFFF;
	_ =	strace $0x90000046  }
0xb2: {  	s29 =	simm.s32 $0x9;
	_ =	strace $0x80000048  }
0xb3: {  	_ =	swait.ge [sflag:s29], $0x1  }
0xb4: {  	[sflag:s29] =	ssyncadd.s32 $0xFFFFFFFF  }
0xb5: {  	_ =	strace $0x90000048  }
0xb6: {  	_ =	sfence  }
0xb7: {  	s30 =	sld [smem:$0x0];
	_ =	sdelay $0x2  }
0xb8: {  	s31 =	sshll.u32 s1, $0xD;
	s1 =	sshrl.u32 s1, $0x2  }
0xb9: {  	s3 =	sand.u32 $0x4000, s31;
	s1 =	sadd.s32 s1, s30  }
0xba: {  	s0 =	sor.u32 s3, s0;
	s1 =	sshll.u32 s1, $0x11  }
0xbb: {  	s0 =	sor.u32 s1, s0  }
0xbc: {  	s0 =	sadd.s32 $0x8F2B, s0  }
0xbd: {  	[sflag:s0] =	ssyncadd.remote.s32 $0x1  }
0xbe: {  	_ =	sfence.sel $0xFFFF  }
0xbf: {  	[dreg:$0x0] =	wrdreg $0xFFFFFFFF;
	(pc) =	sbr.abs _section_cstart, $3  }
0xc0: {  	[dreg:$0x1] =	wrdreg $0xFFFFFFFF  }
0xc1: {  	_ =	task.clear_ibuf [dreg:s7], $0x2FFFF;
	_ =	strace $0x9FFFFFFF  }
0xc2: {  	(tm) =	ssettm $0x7FFFFFFF  }
0xc3: {  	_ =	shalt  }
tec
execute0_lowered:
.L_overlay_start_1:
0x0: {  	(tag) =	ssettag $0x1  }
0x1: {  	s0 =	rddreg [dreg:$0x0];
	s1 =	srdreg.scid  }
0x2: {  	s3 =	stileid.u32;
	s2 =	rddreg [dreg:$0x1];
	s4 =	simm.s32 $0x0  }
0x3: {  	s14 =	simm.s32 $0x1900;
	s1 =	sand.u32 $0x1, s1;
	s3 =	sshll.u32 s3, $0x1  }
0x4: {  	s15 =	simm.s32 $0x20;
	s16 =	simm.s32 $0x3200;
	s3 =	sor.u32 s1, s3  }
0x5: {  	s17 =	simm.s32 $0x7D00;
	[smem:$0x7FF] =	sst s4;
	s4 =	smul.u32 $0x1900, s3  }
0x6: {  	s19 =	simm.s32 $0xC800;
	s29 =	simm.s32 $0x3;
	_ =	strace $0x80000047  }
0x7: {  	s1 =	ssub.s32 $0x2, s1;
	s22 =	smul.u32 $0x3A980, s3;
	s5 =	sshrl.u32 s4, $0x3  }
0x8: {  	s6 =	smul.u32 $0x1D4C00, s3;
	s21 =	sshrl.u32 s1, $0x1;
	s7 =	sadd.s32 s5, s0  }
0x9: {  	s5 =	sadd.s32 $0x2DD3E00, s0;
	s0 =	ssub.s32 s1, s21;
	s1 =	sadd.s32 s2, s22  }
0xa: {  	s23 =	sshrl.u32 s6, $0x3;
	s24 =	sadd.s32 $0x6E00, s7;
	[dreg:$0x5] =	wrdreg s1  }
0xb: {  	s3 =	sadd.s32 s2, s23;
	s25 =	sadd.s32 $0xA00, s7;
	[dreg:$0x3] =	wrdreg s24  }
0xc: {  	s30 =	simm.s32 $0x1A900;
	s26 =	sadd.s32 $0x4B0, s3;
	[dreg:$0x4] =	wrdreg s25  }
0xd: {  	s21 =	simm.s32 $0x11300;
	s28 =	sadd.s32 $0x960, s3;
	[dreg:$0x6] =	wrdreg s26  }
0xe: {  	s22 =	simm.s32 $0x1;
	s31 =	sadd.s32 $0xE10, s3;
	[dreg:$0x7] =	wrdreg s28  }
0xf: {  	s23 =	simm.s32 $0x15E00;
	s0 =	smax.u32 s0, $0x1;
	[dreg:$0x8] =	wrdreg s31  }
0x10: {  	v0 =	vlaneseq.u32;
	s1 =	simm.s32 $0x4;
	s7 =	simm.s32 $0x0;
	[dreg:$0x9] =	wrdreg s0  }
0x11: {  	v1 =	vor.u32 $0x10, v0;
	s25 =	simm.s32 $0x2;
	s26 =	simm.s32 $0x18380;
	s0 =	simm.s32 $0x1CE80  }
.LBB2_1:
0x12: {  	[dreg:$0xa] =	wrdreg s7  }
0x13: {  	s3 =	simm.s32 $0x0;
	s6 =	rddreg [dreg:$0x3];
	s13 =	simm.s32 $0x9  }
0x14: {  	[tilespmem:s3], [sflag:$0x9] =	stream.linear.gather [hbm4b:s6+s3], $0x1900, $0x38;
	[tilespmem:$0x1F400] =	vst v63  }
0x15: {  	_ =	swait.ge [sflag:s13], $0x1900  }
0x16: {  	[sflag:s13] =	ssyncset.done $0x0  }
0x17: {  	s18 =	rddreg [dreg:$0x4];
	[sflag:s13] =	ssyncadd.s32 $0xFFFFE700  }
0x18: {  	[tilespmem:s14], [sflag:$0x9] =	stream.linear.gather [hbm4b:s18+s3], $0x1900, $0x38;
	[tilespmem:$0x1F400] =	vst v63  }
0x19: {  	_ =	swait.ge [sflag:s13], $0x1900  }
0x1a: {  	[sflag:s13] =	ssyncset.done $0x0  }
0x1b: {  	[sflag:s13] =	ssyncadd.s32 $0xFFFFE700  }
0x1c: {  	[tilespmem:s16], [sflag:$0x1] =	stream.indirect.gather [hbm4b:s5+s15], $0x258, s3, s15, $0xb8;
	[tilespmem:$0x1F400] =	vst v63  }
0x1d: {  	_ = 	snop  }
0x1e: {  	[tilespmem:s17], [sflag:$0x2] =	stream.indirect.gather [hbm4b:s5+s15], $0x258, s15, s15, $0xb8;
	[tilespmem:$0x1F400] =	vst v63  }
0x1f: {  	s20 =	simm.s32 $0x40  }
0x20: {  	[tilespmem:s19], [sflag:$0x3] =	stream.indirect.gather [hbm4b:s5+s15], $0x258, s20, s15, $0xb8;
	[tilespmem:$0x1F400] =	vst v63  }
0x21: {  	s24 =	simm.s32 $0x60;
	v2 =	vmov s3  }
0x22: {  	[tilespmem:s21], [sflag:$0x4] =	stream.indirect.gather [hbm4b:s5+s15], $0x258, s24, s15, $0xb8;
	[tilespmem:$0x1F400] =	vst v63  }
0x23: {  	_ =	swait.ge [sflag:s22], $0x4B00  }
0x24: {  	[sflag:s22] =	ssyncset.done $0x0  }
0x25: {  	[sflag:s22] =	ssyncadd.s32 $0xFFFFB500  }
0x26: {  	v3 =	vld.idx.msk [tilespmem:v2+s14+$0x0], $0xffff;
	_ =	sdelay $0x2  }
0x27: {  	v2 =	vmul.u32 $0x258, v2;
	_ =	sdelay $0x1  }
0x28: {  	v2 =	vbroadcast v2, $0x0;
	v4 =	vadd.s32 v0, v3  }
0x29: {  	v5 =	vand.u32 $0xFFFFFFF8, v4  }
0x2a: {  	v4 =	vand.u32 $0x7, v4;
	v5 =	vadd.s32 v2, v5  }
0x2b: {  	v4 =	vor.u32 v4, v5;
	_ =	sdelay $0x2  }
0x2c: {  	v3 =	vadd.s32 v1, v3  }
0x2d: {  	v5 =	vand.u32 $0xFFFFFFF8, v3  }
0x2e: {  	v6 =	vadd.s32 s3, v0;
	v3 =	vand.u32 $0x7, v3;
	v2 =	vadd.s32 v2, v5;
	v4 =	vld.idx.msk [tilespmem:v4+s16+$0x0], $0xffff  }
0x2f: {  	v2 =	vor.u32 v3, v2;
	_ =	sdelay $0x3  }
0x30: {  	s31 =	simm.s32 $0x10;
	[tilespmem:v6+s23+$0x0] =	vst.idx.msk $0xffff, v4  }
0x31: {  	s28 =	simm.s32 $0x1;
	v4 =	vadd.s32 s31, v0;
	v3 =	vld.idx.msk [tilespmem:v2+s16+$0x0], $0xffff  }
0x32: {  	s6 =	simm.s32 $0x2;
	s3 =	simm.s32 $0x0;
	v2 =	vmov s28  }
.LBB2_2:
0x33: {  	p0 =	sne.s32 s6, $0x1F;
	_ =	sdelay $0x2  }
0x34: {  	[tilespmem:v4+s23+$0x0] =	vst.idx.msk $0xffff, v3  }
0x35: {  	v3 =	vld.idx.msk [tilespmem:v2+s14+$0x0], $0xffff;
	_ =	sdelay $0x3  }
0x36: {  	v2 =	vmul.u32 $0x258, v2;
	_ =	sdelay $0x1  }
0x37: {  	v2 =	vbroadcast v2, $0x0;
	v4 =	vadd.s32 v0, v3  }
0x38: {  	v5 =	vand.u32 $0xFFFFFFF8, v4  }
0x39: {  	v4 =	vand.u32 $0x7, v4;
	v5 =	vadd.s32 v2, v5  }
0x3a: {  	v4 =	vor.u32 v4, v5;
	_ =	sdelay $0x3  }
0x3b: {  	v3 =	vadd.s32 v1, v3  }
0x3c: {  	s3 =	sadd.s32 $0x12C, s3;
	v5 =	vand.u32 $0xFFFFFFF8, v3;
	v4 =	vld.idx.msk [tilespmem:v4+s16+$0x0], $0xffff  }
0x3d: {  	v6 =	vadd.s32 s3, v0;
	v3 =	vand.u32 $0x7, v3;
	v2 =	vadd.s32 v2, v5  }
0x3e: {  	v2 =	vor.u32 v3, v2;
	_ =	sdelay $0x2  }
.Ltmp0:
0x3f: {  	(pc) =	sbr.rel @p0 .LBB2_2-.Ltmp0, $4  }
0x40: {  	[tilespmem:v6+s23+$0x0] =	vst.idx.msk $0xffff, v4  }
0x41: {  	s7 =	sadd.s32 $0x10, s3;
	v3 =	vld.idx.msk [tilespmem:v2+s16+$0x0], $0xffff  }
0x42: {  	v4 =	vadd.s32 s7, v0  }
0x43: {  	v2 =	vmov s6;
	s6 =	sadd.s32 $0x1, s6  }
0x44: {  	_ =	sdelay $0x3  }
0x45: {  	[tilespmem:v4+s23+$0x0] =	vst.idx.msk $0xffff, v3  }
0x46: {  	v3 =	vld.idx.msk [tilespmem:v2+s14+$0x0], $0xffff;
	_ =	sdelay $0x2  }
0x47: {  	v2 =	vmul.u32 $0x258, v2;
	_ =	sdelay $0x1  }
0x48: {  	v2 =	vbroadcast v2, $0x0;
	v4 =	vadd.s32 v0, v3  }
0x49: {  	v5 =	vand.u32 $0xFFFFFFF8, v4  }
0x4a: {  	v4 =	vand.u32 $0x7, v4;
	v5 =	vadd.s32 v2, v5  }
0x4b: {  	v4 =	vor.u32 v4, v5;
	_ =	sdelay $0x2  }
0x4c: {  	v3 =	vadd.s32 v1, v3  }
0x4d: {  	s3 =	sadd.s32 $0x12C, s3;
	v5 =	vand.u32 $0xFFFFFFF8, v3  }
0x4e: {  	v6 =	vadd.s32 s3, v0;
	v3 =	vand.u32 $0x7, v3;
	v2 =	vadd.s32 v2, v5;
	v4 =	vld.idx.msk [tilespmem:v4+s16+$0x0], $0xffff  }
0x4f: {  	v2 =	vor.u32 v3, v2;
	_ =	sdelay $0x3  }
0x50: {  	s3 =	sadd.s32 $0x10, s3;
	[tilespmem:v6+s23+$0x0] =	vst.idx.msk $0xffff, v4  }
0x51: {  	v3 =	vadd.s32 s3, v0;
	v2 =	vld.idx.msk [tilespmem:v2+s16+$0x0], $0xffff;
	_ =	sdelay $0x4  }
0x52: {  	s18 =	simm.s32 $0x20;
	s6 =	simm.s32 $0x80;
	[tilespmem:v3+s23+$0x0] =	vst.idx.msk $0xffff, v2  }
0x53: {  	[tilespmem:s16], [sflag:$0x1] =	stream.indirect.gather [hbm4b:s5+s18], $0x258, s6, s18, $0xb8;
	[tilespmem:$0x1F400] =	vst v63  }
0x54: {  	s20 =	simm.s32 $0x0;
	s24 =	rddreg [dreg:$0x5];
	v2 =	vmov s18  }
0x55: {  	[hbm4b:s24+s20] =	stream.linear.scatter [tilespmem:s23], [sflag:$0x5], $0x2580, $0x38;
	[tilespmem:$0x1F400] =	vst v63  }
0x56: {  	_ =	swait.ge [sflag:s25], $0x4B00  }
0x57: {  	[sflag:s25] =	ssyncset.done $0x0  }
0x58: {  	[sflag:s25] =	ssyncadd.s32 $0xFFFFB500  }
0x59: {  	v2 =	vld.idx.msk [tilespmem:v2+s14+$0x0], $0xffff  }
0x5a: {  	s28 =	simm.s32 $0x0  }
0x5b: {  	v3 =	vmov s28  }
0x5c: {  	v3 =	vmul.u32 $0x258, v3;
	_ =	sdelay $0x1  }
0x5d: {  	v3 =	vbroadcast v3, $0x0;
	v4 =	vadd.s32 v0, v2  }
0x5e: {  	v5 =	vand.u32 $0xFFFFFFF8, v4  }
0x5f: {  	v4 =	vand.u32 $0x7, v4;
	v5 =	vadd.s32 v3, v5  }
0x60: {  	v4 =	vor.u32 v4, v5;
	_ =	sdelay $0x2  }
0x61: {  	v2 =	vadd.s32 v1, v2  }
0x62: {  	s31 =	simm.s32 $0x0;
	v5 =	vand.u32 $0xFFFFFFF8, v2  }
0x63: {  	v6 =	vadd.s32 s31, v0;
	v2 =	vand.u32 $0x7, v2;
	v3 =	vadd.s32 v3, v5;
	v4 =	vld.idx.msk [tilespmem:v4+s17+$0x0], $0xffff  }
0x64: {  	v2 =	vor.u32 v2, v3;
	_ =	sdelay $0x3  }
0x65: {  	s3 =	simm.s32 $0x10;
	[tilespmem:v6+s26+$0x0] =	vst.idx.msk $0xffff, v4  }
0x66: {  	s6 =	simm.s32 $0x21;
	v3 =	vadd.s32 s3, v0;
	v2 =	vld.idx.msk [tilespmem:v2+s17+$0x0], $0xffff  }
0x67: {  	s7 =	simm.s32 $0x22;
	v4 =	vmov s6  }
.LBB2_4:
0x68: {  	p0 =	sne.s32 s7, $0x3F;
	_ =	sdelay $0x2  }
0x69: {  	[tilespmem:v3+s26+$0x0] =	vst.idx.msk $0xffff, v2  }
0x6a: {  	v2 =	vld.idx.msk [tilespmem:v4+s14+$0x0], $0xffff;
	_ =	sdelay $0x1  }
0x6b: {  	s8 =	sadd.s32 $0xFFFFFFE0, s6;
	s6 =	smov.u32 s7  }
0x6c: {  	v3 =	vmov s8  }
0x6d: {  	v3 =	vmul.u32 $0x258, v3;
	_ =	sdelay $0x1  }
0x6e: {  	v3 =	vbroadcast v3, $0x0;
	v4 =	vadd.s32 v0, v2  }
0x6f: {  	v5 =	vand.u32 $0xFFFFFFF8, v4  }
0x70: {  	v4 =	vand.u32 $0x7, v4;
	v5 =	vadd.s32 v3, v5  }
0x71: {  	v4 =	vor.u32 v4, v5;
	_ =	sdelay $0x3  }
0x72: {  	s3 =	sadd.s32 $0x12C, s3;
	v2 =	vadd.s32 v1, v2  }
0x73: {  	s8 =	sadd.s32 $0xFFFFFFF0, s3;
	v5 =	vand.u32 $0xFFFFFFF8, v2;
	v4 =	vld.idx.msk [tilespmem:v4+s17+$0x0], $0xffff  }
0x74: {  	v6 =	vadd.s32 s8, v0;
	v2 =	vand.u32 $0x7, v2;
	v3 =	vadd.s32 v3, v5  }
0x75: {  	v2 =	vor.u32 v2, v3;
	_ =	sdelay $0x2  }
.Ltmp1:
0x76: {  	(pc) =	sbr.rel @p0 .LBB2_4-.Ltmp1, $4  }
0x77: {  	[tilespmem:v6+s26+$0x0] =	vst.idx.msk $0xffff, v4  }
0x78: {  	v2 =	vld.idx.msk [tilespmem:v2+s17+$0x0], $0xffff  }
0x79: {  	v3 =	vadd.s32 s3, v0  }
0x7a: {  	s7 =	sadd.s32 $0x1, s7;
	v4 =	vmov s6  }
0x7b: {  	_ =	sdelay $0x3  }
0x7c: {  	[tilespmem:v3+s26+$0x0] =	vst.idx.msk $0xffff, v2  }
0x7d: {  	v2 =	vld.idx.msk [tilespmem:v4+s14+$0x0], $0xffff  }
0x7e: {  	s6 =	sadd.s32 $0xFFFFFFE0, s6  }
0x7f: {  	v3 =	vmov s6  }
0x80: {  	v3 =	vmul.u32 $0x258, v3;
	_ =	sdelay $0x1  }
0x81: {  	v3 =	vbroadcast v3, $0x0;
	v4 =	vadd.s32 v0, v2  }
0x82: {  	v5 =	vand.u32 $0xFFFFFFF8, v4  }
0x83: {  	v4 =	vand.u32 $0x7, v4;
	v5 =	vadd.s32 v3, v5  }
0x84: {  	v4 =	vor.u32 v4, v5;
	_ =	sdelay $0x2  }
0x85: {  	s3 =	sadd.s32 $0x12C, s3;
	v2 =	vadd.s32 v1, v2  }
0x86: {  	s12 =	sadd.s32 $0xFFFFFFF0, s3;
	v5 =	vand.u32 $0xFFFFFFF8, v2  }
0x87: {  	v6 =	vadd.s32 s12, v0;
	v2 =	vand.u32 $0x7, v2;
	v3 =	vadd.s32 v3, v5;
	v4 =	vld.idx.msk [tilespmem:v4+s17+$0x0], $0xffff  }
0x88: {  	v2 =	vor.u32 v2, v3;
	_ =	sdelay $0x3  }
0x89: {  	[tilespmem:v6+s26+$0x0] =	vst.idx.msk $0xffff, v4  }
0x8a: {  	v3 =	vadd.s32 s3, v0;
	v2 =	vld.idx.msk [tilespmem:v2+s17+$0x0], $0xffff;
	_ =	sdelay $0x4  }
0x8b: {  	s13 =	simm.s32 $0xA0;
	s18 =	simm.s32 $0x40;
	[tilespmem:v3+s26+$0x0] =	vst.idx.msk $0xffff, v2  }
0x8c: {  	[tilespmem:s17], [sflag:$0x2] =	stream.indirect.gather [hbm4b:s5+s15], $0x258, s13, s15, $0xb8;
	[tilespmem:$0x1F400] =	vst v63  }
0x8d: {  	s20 =	simm.s32 $0x0;
	s24 =	rddreg [dreg:$0x6];
	v2 =	vmov s18  }
0x8e: {  	[hbm4b:s24+s20] =	stream.linear.scatter [tilespmem:s26], [sflag:$0x6], $0x2580, $0x38;
	[tilespmem:$0x1F400] =	vst v63  }
0x8f: {  	_ =	swait.ge [sflag:s29], $0x4B00  }
0x90: {  	[sflag:s29] =	ssyncset.done $0x0  }
0x91: {  	[sflag:s29] =	ssyncadd.s32 $0xFFFFB500  }
0x92: {  	v2 =	vld.idx.msk [tilespmem:v2+s14+$0x0], $0xffff  }
0x93: {  	s28 =	simm.s32 $0x0  }
0x94: {  	v3 =	vmov s28  }
0x95: {  	v3 =	vmul.u32 $0x258, v3;
	_ =	sdelay $0x1  }
0x96: {  	v3 =	vbroadcast v3, $0x0;
	v4 =	vadd.s32 v0, v2  }
0x97: {  	v5 =	vand.u32 $0xFFFFFFF8, v4  }
0x98: {  	v4 =	vand.u32 $0x7, v4;
	v5 =	vadd.s32 v3, v5  }
0x99: {  	v4 =	vor.u32 v4, v5;
	_ =	sdelay $0x2  }
0x9a: {  	v2 =	vadd.s32 v1, v2  }
0x9b: {  	s31 =	simm.s32 $0x0;
	v5 =	vand.u32 $0xFFFFFFF8, v2  }
0x9c: {  	v6 =	vadd.s32 s31, v0;
	v2 =	vand.u32 $0x7, v2;
	v3 =	vadd.s32 v3, v5;
	v4 =	vld.idx.msk [tilespmem:v4+s19+$0x0], $0xffff  }
0x9d: {  	v2 =	vor.u32 v2, v3;
	_ =	sdelay $0x3  }
0x9e: {  	s3 =	simm.s32 $0x10;
	[tilespmem:v6+s30+$0x0] =	vst.idx.msk $0xffff, v4  }
0x9f: {  	s6 =	simm.s32 $0x41;
	v3 =	vadd.s32 s3, v0;
	v2 =	vld.idx.msk [tilespmem:v2+s19+$0x0], $0xffff  }
0xa0: {  	s7 =	simm.s32 $0x42;
	v4 =	vmov s6  }
.LBB2_6:
0xa1: {  	p0 =	sne.s32 s7, $0x5F;
	_ =	sdelay $0x2  }
0xa2: {  	[tilespmem:v3+s30+$0x0] =	vst.idx.msk $0xffff, v2  }
0xa3: {  	v2 =	vld.idx.msk [tilespmem:v4+s14+$0x0], $0xffff;
	_ =	sdelay $0x1  }
0xa4: {  	s8 =	sadd.s32 $0xFFFFFFC0, s6;
	s6 =	smov.u32 s7  }
0xa5: {  	v3 =	vmov s8  }
0xa6: {  	v3 =	vmul.u32 $0x258, v3;
	_ =	sdelay $0x1  }
0xa7: {  	v3 =	vbroadcast v3, $0x0;
	v4 =	vadd.s32 v0, v2  }
0xa8: {  	v5 =	vand.u32 $0xFFFFFFF8, v4  }
0xa9: {  	v4 =	vand.u32 $0x7, v4;
	v5 =	vadd.s32 v3, v5  }
0xaa: {  	v4 =	vor.u32 v4, v5;
	_ =	sdelay $0x3  }
0xab: {  	s3 =	sadd.s32 $0x12C, s3;
	v2 =	vadd.s32 v1, v2  }
0xac: {  	s8 =	sadd.s32 $0xFFFFFFF0, s3;
	v5 =	vand.u32 $0xFFFFFFF8, v2;
	v4 =	vld.idx.msk [tilespmem:v4+s19+$0x0], $0xffff  }
0xad: {  	v6 =	vadd.s32 s8, v0;
	v2 =	vand.u32 $0x7, v2;
	v3 =	vadd.s32 v3, v5  }
0xae: {  	v2 =	vor.u32 v2, v3;
	_ =	sdelay $0x2  }
.Ltmp2:
0xaf: {  	(pc) =	sbr.rel @p0 .LBB2_6-.Ltmp2, $4  }
0xb0: {  	[tilespmem:v6+s30+$0x0] =	vst.idx.msk $0xffff, v4  }
0xb1: {  	v2 =	vld.idx.msk [tilespmem:v2+s19+$0x0], $0xffff  }
0xb2: {  	v3 =	vadd.s32 s3, v0  }
0xb3: {  	s7 =	sadd.s32 $0x1, s7;
	v4 =	vmov s6  }
0xb4: {  	_ =	sdelay $0x3  }
0xb5: {  	[tilespmem:v3+s30+$0x0] =	vst.idx.msk $0xffff, v2  }
0xb6: {  	v2 =	vld.idx.msk [tilespmem:v4+s14+$0x0], $0xffff  }
0xb7: {  	s6 =	sadd.s32 $0xFFFFFFC0, s6  }
0xb8: {  	v3 =	vmov s6  }
0xb9: {  	v3 =	vmul.u32 $0x258, v3;
	_ =	sdelay $0x1  }
0xba: {  	v3 =	vbroadcast v3, $0x0;
	v4 =	vadd.s32 v0, v2  }
0xbb: {  	v5 =	vand.u32 $0xFFFFFFF8, v4  }
0xbc: {  	v4 =	vand.u32 $0x7, v4;
	v5 =	vadd.s32 v3, v5  }
0xbd: {  	v4 =	vor.u32 v4, v5;
	_ =	sdelay $0x2  }
0xbe: {  	s3 =	sadd.s32 $0x12C, s3;
	v2 =	vadd.s32 v1, v2  }
0xbf: {  	s12 =	sadd.s32 $0xFFFFFFF0, s3;
	v5 =	vand.u32 $0xFFFFFFF8, v2  }
0xc0: {  	v6 =	vadd.s32 s12, v0;
	v2 =	vand.u32 $0x7, v2;
	v3 =	vadd.s32 v3, v5;
	v4 =	vld.idx.msk [tilespmem:v4+s19+$0x0], $0xffff  }
0xc1: {  	v2 =	vor.u32 v2, v3;
	_ =	sdelay $0x3  }
0xc2: {  	[tilespmem:v6+s30+$0x0] =	vst.idx.msk $0xffff, v4  }
0xc3: {  	v3 =	vadd.s32 s3, v0;
	v2 =	vld.idx.msk [tilespmem:v2+s19+$0x0], $0xffff;
	_ =	sdelay $0x4  }
0xc4: {  	s13 =	simm.s32 $0xC0;
	s18 =	simm.s32 $0x60;
	[tilespmem:v3+s30+$0x0] =	vst.idx.msk $0xffff, v2  }
0xc5: {  	[tilespmem:s19], [sflag:$0x3] =	stream.indirect.gather [hbm4b:s5+s15], $0x258, s13, s15, $0xb8;
	[tilespmem:$0x1F400] =	vst v63  }
0xc6: {  	s20 =	simm.s32 $0x0;
	s24 =	rddreg [dreg:$0x7];
	v2 =	vmov s18  }
0xc7: {  	[hbm4b:s24+s20] =	stream.linear.scatter [tilespmem:s30], [sflag:$0x7], $0x2580, $0x38;
	[tilespmem:$0x1F400] =	vst v63  }
0xc8: {  	_ =	swait.ge [sflag:s1], $0x4B00  }
0xc9: {  	[sflag:s1] =	ssyncset.done $0x0  }
0xca: {  	[sflag:s1] =	ssyncadd.s32 $0xFFFFB500  }
0xcb: {  	v2 =	vld.idx.msk [tilespmem:v2+s14+$0x0], $0xffff  }
0xcc: {  	s28 =	simm.s32 $0x0  }
0xcd: {  	v3 =	vmov s28  }
0xce: {  	v3 =	vmul.u32 $0x258, v3;
	_ =	sdelay $0x1  }
0xcf: {  	v3 =	vbroadcast v3, $0x0;
	v4 =	vadd.s32 v0, v2  }
0xd0: {  	v5 =	vand.u32 $0xFFFFFFF8, v4  }
0xd1: {  	v4 =	vand.u32 $0x7, v4;
	v5 =	vadd.s32 v3, v5  }
0xd2: {  	v4 =	vor.u32 v4, v5;
	_ =	sdelay $0x2  }
0xd3: {  	v2 =	vadd.s32 v1, v2  }
0xd4: {  	s31 =	simm.s32 $0x0;
	v5 =	vand.u32 $0xFFFFFFF8, v2  }
0xd5: {  	v6 =	vadd.s32 s31, v0;
	v2 =	vand.u32 $0x7, v2;
	v3 =	vadd.s32 v3, v5;
	v4 =	vld.idx.msk [tilespmem:v4+s21+$0x0], $0xffff  }
0xd6: {  	v2 =	vor.u32 v2, v3;
	_ =	sdelay $0x3  }
0xd7: {  	s3 =	simm.s32 $0x10;
	[tilespmem:v6+s0+$0x0] =	vst.idx.msk $0xffff, v4  }
0xd8: {  	s6 =	simm.s32 $0x61;
	v3 =	vadd.s32 s3, v0;
	v2 =	vld.idx.msk [tilespmem:v2+s21+$0x0], $0xffff  }
0xd9: {  	s7 =	simm.s32 $0x62;
	v4 =	vmov s6  }
.LBB2_8:
0xda: {  	p0 =	sne.s32 s7, $0x7F;
	_ =	sdelay $0x2  }
0xdb: {  	[tilespmem:v3+s0+$0x0] =	vst.idx.msk $0xffff, v2  }
0xdc: {  	v2 =	vld.idx.msk [tilespmem:v4+s14+$0x0], $0xffff;
	_ =	sdelay $0x1  }
0xdd: {  	s8 =	sadd.s32 $0xFFFFFFA0, s6;
	s6 =	smov.u32 s7  }
0xde: {  	v3 =	vmov s8  }
0xdf: {  	v3 =	vmul.u32 $0x258, v3;
	_ =	sdelay $0x1  }
0xe0: {  	v3 =	vbroadcast v3, $0x0;
	v4 =	vadd.s32 v0, v2  }
0xe1: {  	v5 =	vand.u32 $0xFFFFFFF8, v4  }
0xe2: {  	v4 =	vand.u32 $0x7, v4;
	v5 =	vadd.s32 v3, v5  }
0xe3: {  	v4 =	vor.u32 v4, v5;
	_ =	sdelay $0x3  }
0xe4: {  	s3 =	sadd.s32 $0x12C, s3;
	v2 =	vadd.s32 v1, v2  }
0xe5: {  	s8 =	sadd.s32 $0xFFFFFFF0, s3;
	v5 =	vand.u32 $0xFFFFFFF8, v2;
	v4 =	vld.idx.msk [tilespmem:v4+s21+$0x0], $0xffff  }
0xe6: {  	v6 =	vadd.s32 s8, v0;
	v2 =	vand.u32 $0x7, v2;
	v3 =	vadd.s32 v3, v5  }
0xe7: {  	v2 =	vor.u32 v2, v3;
	_ =	sdelay $0x2  }
.Ltmp3:
0xe8: {  	(pc) =	sbr.rel @p0 .LBB2_8-.Ltmp3, $4  }
0xe9: {  	[tilespmem:v6+s0+$0x0] =	vst.idx.msk $0xffff, v4  }
0xea: {  	v2 =	vld.idx.msk [tilespmem:v2+s21+$0x0], $0xffff  }
0xeb: {  	v3 =	vadd.s32 s3, v0  }
0xec: {  	s7 =	sadd.s32 $0x1, s7;
	v4 =	vmov s6  }
0xed: {  	_ =	sdelay $0x3  }
0xee: {  	[tilespmem:v3+s0+$0x0] =	vst.idx.msk $0xffff, v2  }
0xef: {  	v2 =	vld.idx.msk [tilespmem:v4+s14+$0x0], $0xffff  }
0xf0: {  	s6 =	sadd.s32 $0xFFFFFFA0, s6  }
0xf1: {  	v3 =	vmov s6  }
0xf2: {  	v3 =	vmul.u32 $0x258, v3;
	_ =	sdelay $0x1  }
0xf3: {  	v3 =	vbroadcast v3, $0x0;
	v4 =	vadd.s32 v0, v2  }
0xf4: {  	v5 =	vand.u32 $0xFFFFFFF8, v4  }
0xf5: {  	v4 =	vand.u32 $0x7, v4;
	v5 =	vadd.s32 v3, v5  }
0xf6: {  	v4 =	vor.u32 v4, v5;
	_ =	sdelay $0x2  }
0xf7: {  	s3 =	sadd.s32 $0x12C, s3;
	v2 =	vadd.s32 v1, v2  }
0xf8: {  	s28 =	sadd.s32 $0xFFFFFFF0, s3;
	v63 =	vand.u32 $0xFFFFFFF8, v2  }
0xf9: {  	v6 =	vadd.s32 s28, v0;
	v2 =	vand.u32 $0x7, v2;
	v3 =	vadd.s32 v3, v63;
	v4 =	vld.idx.msk [tilespmem:v4+s21+$0x0], $0xffff  }
0xfa: {  	v2 =	vor.u32 v2, v3;
	_ =	sdelay $0x3  }
0xfb: {  	[tilespmem:v6+s0+$0x0] =	vst.idx.msk $0xffff, v4  }
0xfc: {  	v3 =	vadd.s32 s3, v0;
	v2 =	vld.idx.msk [tilespmem:v2+s21+$0x0], $0xffff;
	_ =	sdelay $0x3  }
0xfd: {  	s7 =	simm.s32 $0x0  }
0xfe: {  	s31 =	rddreg [dreg:$0x8];
	s8 =	simm.s32 $0xA0;
	s6 =	simm.s32 $0xE0;
	[tilespmem:v3+s0+$0x0] =	vst.idx.msk $0xffff, v2  }
0xff: {  	[tilespmem:s21], [sflag:$0x4] =	stream.indirect.gather [hbm4b:s5+s15], $0x258, s6, s15, $0xb8;
	[tilespmem:$0x1F400] =	vst v63  }
0x100: {  	s9 =	simm.s32 $0xC0;
	s10 =	simm.s32 $0x80;
	s11 =	simm.s32 $0x0  }
0x101: {  	[hbm4b:s31+s7] =	stream.linear.scatter [tilespmem:s0], [sflag:$0x8], $0x2580, $0x38;
	[tilespmem:$0x1F400] =	vst v63  }
.LBB2_10:
0x102: {  	_ =	swait.ge [sflag:s22], $0x4B00;
	s3 =	sadd.s32 $0x0, s10  }
0x103: {  	[sflag:s22] =	ssyncset.done $0x0;
	v2 =	vmov s3  }
0x104: {  	s24 =	simm.s32 $0x5;
	[sflag:s22] =	ssyncadd.s32 $0xFFFFB500  }
0x105: {  	_ =	swait.ge [sflag:s24], $0x2580  }
0x106: {  	[sflag:s24] =	ssyncset.done $0x0  }
0x107: {  	[sflag:s24] =	ssyncadd.s32 $0xFFFFDA80  }
0x108: {  	v2 =	vld.idx.msk [tilespmem:v2+s14+$0x0], $0xffff;
	_ =	sdelay $0x1  }
0x109: {  	v3 =	vmov s7  }
0x10a: {  	v3 =	vmul.u32 $0x258, v3;
	_ =	sdelay $0x1  }
0x10b: {  	v3 =	vbroadcast v3, $0x0;
	v4 =	vadd.s32 v0, v2  }
0x10c: {  	v5 =	vand.u32 $0xFFFFFFF8, v4  }
0x10d: {  	v4 =	vand.u32 $0x7, v4;
	v5 =	vadd.s32 v3, v5  }
0x10e: {  	v4 =	vor.u32 v4, v5;
	_ =	sdelay $0x2  }
0x10f: {  	v2 =	vadd.s32 v1, v2  }
0x110: {  	v5 =	vand.u32 $0xFFFFFFF8, v2  }
0x111: {  	v6 =	vadd.s32 s7, v0;
	v2 =	vand.u32 $0x7, v2;
	v3 =	vadd.s32 v3, v5;
	v4 =	vld.idx.msk [tilespmem:v4+s16+$0x0], $0xffff  }
0x112: {  	v2 =	vor.u32 v2, v3;
	_ =	sdelay $0x2  }
0x113: {  	s12 =	sshll.u32 s11, $0x7  }
0x114: {  	s13 =	simm.s32 $0x1;
	s28 =	simm.s32 $0x10;
	s20 =	sadd.s32 $0x1, s10;
	[tilespmem:v6+s23+$0x0] =	vst.idx.msk $0xffff, v4  }
0x115: {  	s18 =	simm.s32 $0x2;
	s31 =	sadd.s32 $0x80, s12;
	s3 =	simm.s32 $0x0;
	v3 =	vadd.s32 s28, v0;
	v2 =	vld.idx.msk [tilespmem:v2+s16+$0x0], $0xffff  }
.LBB2_11:
0x116: {  	p0 =	sne.s32 s18, $0x1F;
	v4 =	vmov s20;
	_ =	sdelay $0x3  }
0x117: {  	[tilespmem:v3+s23+$0x0] =	vst.idx.msk $0xffff, v2  }
0x118: {  	v2 =	vld.idx.msk [tilespmem:v4+s14+$0x0], $0xffff;
	_ =	sdelay $0x2  }
0x119: {  	v3 =	vmov s13;
	s13 =	smov.u32 s18  }
0x11a: {  	v3 =	vmul.u32 $0x258, v3;
	_ =	sdelay $0x1  }
0x11b: {  	v3 =	vbroadcast v3, $0x0;
	v4 =	vadd.s32 v0, v2  }
0x11c: {  	v5 =	vand.u32 $0xFFFFFFF8, v4  }
0x11d: {  	v4 =	vand.u32 $0x7, v4;
	v5 =	vadd.s32 v3, v5  }
0x11e: {  	v4 =	vor.u32 v4, v5;
	_ =	sdelay $0x3  }
0x11f: {  	v2 =	vadd.s32 v1, v2  }
0x120: {  	s3 =	sadd.s32 $0x12C, s3;
	v5 =	vand.u32 $0xFFFFFFF8, v2;
	v4 =	vld.idx.msk [tilespmem:v4+s16+$0x0], $0xffff  }
0x121: {  	v6 =	vadd.s32 s3, v0;
	v2 =	vand.u32 $0x7, v2;
	v3 =	vadd.s32 v3, v5  }
0x122: {  	v2 =	vor.u32 v2, v3;
	_ =	sdelay $0x1  }
.Ltmp4:
0x123: {  	(pc) =	sbr.rel @p0 .LBB2_11-.Ltmp4, $4  }
0x124: {  	_ = 	snop  }
0x125: {  	[tilespmem:v6+s23+$0x0] =	vst.idx.msk $0xffff, v4  }
0x126: {  	s24 =	sadd.s32 $0x10, s3;
	v2 =	vld.idx.msk [tilespmem:v2+s16+$0x0], $0xffff  }
0x127: {  	s18 =	sadd.s32 $0x1, s18;
	s20 =	sadd.s32 s13, s10;
	v3 =	vadd.s32 s24, v0  }
0x128: {  	v4 =	vmov s20;
	_ =	sdelay $0x3  }
0x129: {  	[tilespmem:v3+s23+$0x0] =	vst.idx.msk $0xffff, v2  }
0x12a: {  	v2 =	vld.idx.msk [tilespmem:v4+s14+$0x0], $0xffff;
	_ =	sdelay $0x1  }
0x12b: {  	v3 =	vmov s13  }
0x12c: {  	v3 =	vmul.u32 $0x258, v3;
	_ =	sdelay $0x1  }
0x12d: {  	v3 =	vbroadcast v3, $0x0;
	v4 =	vadd.s32 v0, v2  }
0x12e: {  	v5 =	vand.u32 $0xFFFFFFF8, v4  }
0x12f: {  	v4 =	vand.u32 $0x7, v4;
	v5 =	vadd.s32 v3, v5  }
0x130: {  	v4 =	vor.u32 v4, v5;
	_ =	sdelay $0x2  }
0x131: {  	v2 =	vadd.s32 v1, v2  }
0x132: {  	s3 =	sadd.s32 $0x12C, s3;
	v5 =	vand.u32 $0xFFFFFFF8, v2  }
0x133: {  	v6 =	vadd.s32 s3, v0;
	v2 =	vand.u32 $0x7, v2;
	v3 =	vadd.s32 v3, v5;
	v4 =	vld.idx.msk [tilespmem:v4+s16+$0x0], $0xffff  }
0x134: {  	v2 =	vor.u32 v2, v3;
	_ =	sdelay $0x3  }
0x135: {  	s3 =	sadd.s32 $0x10, s3;
	[tilespmem:v6+s23+$0x0] =	vst.idx.msk $0xffff, v4  }
0x136: {  	s13 =	sshll.u32 s11, $0x2;
	v3 =	vadd.s32 s3, v0;
	v2 =	vld.idx.msk [tilespmem:v2+s16+$0x0], $0xffff  }
0x137: {  	s18 =	smin.u32 s13, $0xBF  }
0x138: {  	s3 =	sshll.u32 s18, $0x5;
	s18 =	sadd.s32 s4, s31  }
0x139: {  	s18 =	smul.u32 $0x12C, s18;
	_ =	sdelay $0x1  }
0x13a: {  	s3 =	sadd.s32 $0x100, s3;
	s20 =	sshrl.u32 s18, $0x3;
	[tilespmem:v3+s23+$0x0] =	vst.idx.msk $0xffff, v2  }
0x13b: {  	[tilespmem:s16], [sflag:$0x1] =	stream.indirect.gather [hbm4b:s5+s15], $0x258, s3, s15, $0xb8;
	[tilespmem:$0x1F400] =	vst v63  }
0x13c: {  	s31 =	simm.s32 $0x0;
	s3 =	sadd.s32 s2, s20  }
0x13d: {  	[hbm4b:s3+s31] =	stream.linear.scatter [tilespmem:s23], [sflag:$0x5], $0x2580, $0x38;
	[tilespmem:$0x1F400] =	vst v63  }
0x13e: {  	s24 =	sadd.s32 $0x0, s8;
	_ =	swait.ge [sflag:s25], $0x4B00  }
0x13f: {  	v2 =	vmov s24;
	[sflag:s25] =	ssyncset.done $0x0  }
0x140: {  	s28 =	simm.s32 $0x6;
	[sflag:s25] =	ssyncadd.s32 $0xFFFFB500  }
0x141: {  	_ =	swait.ge [sflag:s28], $0x2580  }
0x142: {  	[sflag:s28] =	ssyncset.done $0x0  }
0x143: {  	[sflag:s28] =	ssyncadd.s32 $0xFFFFDA80  }
0x144: {  	v2 =	vld.idx.msk [tilespmem:v2+s14+$0x0], $0xffff;
	_ =	sdelay $0x1  }
0x145: {  	v3 =	vmov s31  }
0x146: {  	v3 =	vmul.u32 $0x258, v3;
	_ =	sdelay $0x1  }
0x147: {  	v3 =	vbroadcast v3, $0x0;
	v4 =	vadd.s32 v0, v2  }
0x148: {  	v5 =	vand.u32 $0xFFFFFFF8, v4  }
0x149: {  	v4 =	vand.u32 $0x7, v4;
	v5 =	vadd.s32 v3, v5  }
0x14a: {  	v4 =	vor.u32 v4, v5;
	_ =	sdelay $0x2  }
0x14b: {  	v2 =	vadd.s32 v1, v2  }
0x14c: {  	v5 =	vand.u32 $0xFFFFFFF8, v2  }
0x14d: {  	v63 =	vadd.s32 s31, v0;
	v2 =	vand.u32 $0x7, v2;
	v3 =	vadd.s32 v3, v5;
	v4 =	vld.idx.msk [tilespmem:v4+s17+$0x0], $0xffff  }
0x14e: {  	v2 =	vor.u32 v2, v3;
	_ =	sdelay $0x3  }
0x14f: {  	s18 =	simm.s32 $0x1;
	s28 =	simm.s32 $0x10;
	[tilespmem:v63+s26+$0x0] =	vst.idx.msk $0xffff, v4  }
0x150: {  	s24 =	sadd.s32 $0x1, s8;
	s20 =	simm.s32 $0x2;
	s3 =	sadd.s32 $0xA0, s12;
	v3 =	vadd.s32 s28, v0;
	v2 =	vld.idx.msk [tilespmem:v2+s17+$0x0], $0xffff  }
.LBB2_13:
0x151: {  	p0 =	sne.s32 s20, $0x1F;
	v4 =	vmov s24;
	_ =	sdelay $0x3  }
0x152: {  	[tilespmem:v3+s26+$0x0] =	vst.idx.msk $0xffff, v2  }
0x153: {  	v2 =	vld.idx.msk [tilespmem:v4+s14+$0x0], $0xffff;
	_ =	sdelay $0x2  }
0x154: {  	v3 =	vmov s18;
	s18 =	smov.u32 s20  }
0x155: {  	v3 =	vmul.u32 $0x258, v3;
	_ =	sdelay $0x1  }
0x156: {  	v3 =	vbroadcast v3, $0x0;
	v4 =	vadd.s32 v0, v2  }
0x157: {  	v5 =	vand.u32 $0xFFFFFFF8, v4  }
0x158: {  	v4 =	vand.u32 $0x7, v4;
	v5 =	vadd.s32 v3, v5  }
0x159: {  	v4 =	vor.u32 v4, v5;
	_ =	sdelay $0x3  }
0x15a: {  	v2 =	vadd.s32 v1, v2  }
0x15b: {  	s31 =	sadd.s32 $0x12C, s31;
	v5 =	vand.u32 $0xFFFFFFF8, v2;
	v4 =	vld.idx.msk [tilespmem:v4+s17+$0x0], $0xffff  }
0x15c: {  	v6 =	vadd.s32 s31, v0;
	v2 =	vand.u32 $0x7, v2;
	v3 =	vadd.s32 v3, v5  }
0x15d: {  	v2 =	vor.u32 v2, v3;
	_ =	sdelay $0x1  }
.Ltmp5:
0x15e: {  	(pc) =	sbr.rel @p0 .LBB2_13-.Ltmp5, $4  }
0x15f: {  	_ = 	snop  }
0x160: {  	[tilespmem:v6+s26+$0x0] =	vst.idx.msk $0xffff, v4  }
0x161: {  	s28 =	sadd.s32 $0x10, s31;
	v2 =	vld.idx.msk [tilespmem:v2+s17+$0x0], $0xffff  }
0x162: {  	s20 =	sadd.s32 $0x1, s20;
	s24 =	sadd.s32 s18, s8;
	v3 =	vadd.s32 s28, v0  }
0x163: {  	v4 =	vmov s24;
	_ =	sdelay $0x3  }
0x164: {  	[tilespmem:v3+s26+$0x0] =	vst.idx.msk $0xffff, v2  }
0x165: {  	v2 =	vld.idx.msk [tilespmem:v4+s14+$0x0], $0xffff;
	_ =	sdelay $0x1  }
0x166: {  	v3 =	vmov s18  }
0x167: {  	v3 =	vmul.u32 $0x258, v3;
	_ =	sdelay $0x1  }
0x168: {  	v3 =	vbroadcast v3, $0x0;
	v4 =	vadd.s32 v0, v2  }
0x169: {  	v5 =	vand.u32 $0xFFFFFFF8, v4  }
0x16a: {  	v4 =	vand.u32 $0x7, v4;
	v5 =	vadd.s32 v3, v5  }
0x16b: {  	v4 =	vor.u32 v4, v5;
	_ =	sdelay $0x2  }
0x16c: {  	v2 =	vadd.s32 v1, v2  }
0x16d: {  	s28 =	sadd.s32 $0x12C, s31;
	v5 =	vand.u32 $0xFFFFFFF8, v2  }
0x16e: {  	v6 =	vadd.s32 s28, v0;
	v2 =	vand.u32 $0x7, v2;
	v3 =	vadd.s32 v3, v5;
	v4 =	vld.idx.msk [tilespmem:v4+s17+$0x0], $0xffff  }
0x16f: {  	v2 =	vor.u32 v2, v3;
	_ =	sdelay $0x3  }
0x170: {  	s18 =	sadd.s32 $0x10, s28;
	[tilespmem:v6+s26+$0x0] =	vst.idx.msk $0xffff, v4  }
0x171: {  	v3 =	vadd.s32 s18, v0;
	v2 =	vld.idx.msk [tilespmem:v2+s17+$0x0], $0xffff;
	_ =	sdelay $0x1  }
0x172: {  	s3 =	sadd.s32 s4, s3  }
0x173: {  	s20 =	smin.u32 s13, $0xBE;
	s3 =	smul.u32 $0x12C, s3  }
0x174: {  	s18 =	sshll.u32 s20, $0x5  }
0x175: {  	s3 =	sshrl.u32 s3, $0x3;
	s18 =	sadd.s32 $0x120, s18;
	[tilespmem:v3+s26+$0x0] =	vst.idx.msk $0xffff, v2  }
0x176: {  	[tilespmem:s17], [sflag:$0x2] =	stream.indirect.gather [hbm4b:s5+s15], $0x258, s18, s15, $0xb8;
	[tilespmem:$0x1F400] =	vst v63  }
0x177: {  	s31 =	simm.s32 $0x0;
	s3 =	sadd.s32 s2, s3  }
0x178: {  	[hbm4b:s3+s31] =	stream.linear.scatter [tilespmem:s26], [sflag:$0x6], $0x2580, $0x38;
	[tilespmem:$0x1F400] =	vst v63  }
0x179: {  	s24 =	sadd.s32 $0x0, s9;
	_ =	swait.ge [sflag:s29], $0x4B00  }
0x17a: {  	v2 =	vmov s24;
	[sflag:s29] =	ssyncset.done $0x0  }
0x17b: {  	s28 =	simm.s32 $0x7;
	[sflag:s29] =	ssyncadd.s32 $0xFFFFB500  }
0x17c: {  	_ =	swait.ge [sflag:s28], $0x2580  }
0x17d: {  	[sflag:s28] =	ssyncset.done $0x0  }
0x17e: {  	[sflag:s28] =	ssyncadd.s32 $0xFFFFDA80  }
0x17f: {  	v2 =	vld.idx.msk [tilespmem:v2+s14+$0x0], $0xffff;
	_ =	sdelay $0x1  }
0x180: {  	v3 =	vmov s31  }
0x181: {  	v3 =	vmul.u32 $0x258, v3;
	_ =	sdelay $0x1  }
0x182: {  	v3 =	vbroadcast v3, $0x0;
	v4 =	vadd.s32 v0, v2  }
0x183: {  	v5 =	vand.u32 $0xFFFFFFF8, v4  }
0x184: {  	v4 =	vand.u32 $0x7, v4;
	v5 =	vadd.s32 v3, v5  }
0x185: {  	v4 =	vor.u32 v4, v5;
	_ =	sdelay $0x2  }
0x186: {  	v2 =	vadd.s32 v1, v2  }
0x187: {  	v5 =	vand.u32 $0xFFFFFFF8, v2  }
0x188: {  	v63 =	vadd.s32 s31, v0;
	v2 =	vand.u32 $0x7, v2;
	v3 =	vadd.s32 v3, v5;
	v4 =	vld.idx.msk [tilespmem:v4+s19+$0x0], $0xffff  }
0x189: {  	v2 =	vor.u32 v2, v3;
	_ =	sdelay $0x3  }
0x18a: {  	s20 =	simm.s32 $0x2;
	s28 =	simm.s32 $0x10;
	[tilespmem:v63+s30+$0x0] =	vst.idx.msk $0xffff, v4  }
0x18b: {  	s24 =	sadd.s32 $0x1, s9;
	s18 =	simm.s32 $0x1;
	s3 =	sadd.s32 $0xC0, s12;
	v3 =	vadd.s32 s28, v0;
	v2 =	vld.idx.msk [tilespmem:v2+s19+$0x0], $0xffff  }
.LBB2_15:
0x18c: {  	p0 =	sne.s32 s20, $0x1F;
	v4 =	vmov s24;
	_ =	sdelay $0x3  }
0x18d: {  	[tilespmem:v3+s30+$0x0] =	vst.idx.msk $0xffff, v2  }
0x18e: {  	v2 =	vld.idx.msk [tilespmem:v4+s14+$0x0], $0xffff;
	_ =	sdelay $0x2  }
0x18f: {  	v3 =	vmov s18;
	s18 =	smov.u32 s20  }
0x190: {  	v3 =	vmul.u32 $0x258, v3;
	_ =	sdelay $0x1  }
0x191: {  	v3 =	vbroadcast v3, $0x0;
	v4 =	vadd.s32 v0, v2  }
0x192: {  	v5 =	vand.u32 $0xFFFFFFF8, v4  }
0x193: {  	v4 =	vand.u32 $0x7, v4;
	v5 =	vadd.s32 v3, v5  }
0x194: {  	v4 =	vor.u32 v4, v5;
	_ =	sdelay $0x3  }
0x195: {  	v2 =	vadd.s32 v1, v2  }
0x196: {  	s31 =	sadd.s32 $0x12C, s31;
	v5 =	vand.u32 $0xFFFFFFF8, v2;
	v4 =	vld.idx.msk [tilespmem:v4+s19+$0x0], $0xffff  }
0x197: {  	v6 =	vadd.s32 s31, v0;
	v2 =	vand.u32 $0x7, v2;
	v3 =	vadd.s32 v3, v5  }
0x198: {  	v2 =	vor.u32 v2, v3;
	_ =	sdelay $0x1  }
.Ltmp6:
0x199: {  	(pc) =	sbr.rel @p0 .LBB2_15-.Ltmp6, $4  }
0x19a: {  	_ = 	snop  }
0x19b: {  	[tilespmem:v6+s30+$0x0] =	vst.idx.msk $0xffff, v4  }
0x19c: {  	s28 =	sadd.s32 $0x10, s31;
	v2 =	vld.idx.msk [tilespmem:v2+s19+$0x0], $0xffff  }
0x19d: {  	s20 =	sadd.s32 $0x1, s20;
	s24 =	sadd.s32 s18, s9;
	v3 =	vadd.s32 s28, v0  }
0x19e: {  	v4 =	vmov s24;
	_ =	sdelay $0x3  }
0x19f: {  	[tilespmem:v3+s30+$0x0] =	vst.idx.msk $0xffff, v2  }
0x1a0: {  	v2 =	vld.idx.msk [tilespmem:v4+s14+$0x0], $0xffff;
	_ =	sdelay $0x1  }
0x1a1: {  	v3 =	vmov s18  }
0x1a2: {  	v3 =	vmul.u32 $0x258, v3;
	_ =	sdelay $0x1  }
0x1a3: {  	v3 =	vbroadcast v3, $0x0;
	v4 =	vadd.s32 v0, v2  }
0x1a4: {  	v5 =	vand.u32 $0xFFFFFFF8, v4  }
0x1a5: {  	v4 =	vand.u32 $0x7, v4;
	v5 =	vadd.s32 v3, v5  }
0x1a6: {  	v4 =	vor.u32 v4, v5;
	_ =	sdelay $0x2  }
0x1a7: {  	v2 =	vadd.s32 v1, v2  }
0x1a8: {  	s24 =	sadd.s32 $0x12C, s31;
	v5 =	vand.u32 $0xFFFFFFF8, v2  }
0x1a9: {  	v6 =	vadd.s32 s24, v0;
	v2 =	vand.u32 $0x7, v2;
	v3 =	vadd.s32 v3, v5;
	v4 =	vld.idx.msk [tilespmem:v4+s19+$0x0], $0xffff  }
0x1aa: {  	v2 =	vor.u32 v2, v3;
	_ =	sdelay $0x3  }
0x1ab: {  	s18 =	sadd.s32 $0x10, s24;
	[tilespmem:v6+s30+$0x0] =	vst.idx.msk $0xffff, v4  }
0x1ac: {  	v3 =	vadd.s32 s18, v0;
	v2 =	vld.idx.msk [tilespmem:v2+s19+$0x0], $0xffff;
	_ =	sdelay $0x1  }
0x1ad: {  	s3 =	sadd.s32 s4, s3  }
0x1ae: {  	s28 =	smin.u32 s13, $0xBD;
	s3 =	smul.u32 $0x12C, s3  }
0x1af: {  	s18 =	sshll.u32 s28, $0x5  }
0x1b0: {  	s3 =	sshrl.u32 s3, $0x3;
	s18 =	sadd.s32 $0x140, s18;
	[tilespmem:v3+s30+$0x0] =	vst.idx.msk $0xffff, v2  }
0x1b1: {  	[tilespmem:s19], [sflag:$0x3] =	stream.indirect.gather [hbm4b:s5+s15], $0x258, s18, s15, $0xb8;
	[tilespmem:$0x1F400] =	vst v63  }
0x1b2: {  	s31 =	simm.s32 $0x0;
	s3 =	sadd.s32 s2, s3  }
0x1b3: {  	[hbm4b:s3+s31] =	stream.linear.scatter [tilespmem:s30], [sflag:$0x7], $0x2580, $0x38;
	[tilespmem:$0x1F400] =	vst v63  }
0x1b4: {  	s20 =	sadd.s32 $0x0, s6;
	_ =	swait.ge [sflag:s1], $0x4B00  }
0x1b5: {  	v2 =	vmov s20;
	[sflag:s1] =	ssyncset.done $0x0  }
0x1b6: {  	s24 =	simm.s32 $0x8;
	[sflag:s1] =	ssyncadd.s32 $0xFFFFB500  }
0x1b7: {  	_ =	swait.ge [sflag:s24], $0x2580  }
0x1b8: {  	[sflag:s24] =	ssyncset.done $0x0  }
0x1b9: {  	[sflag:s24] =	ssyncadd.s32 $0xFFFFDA80  }
0x1ba: {  	v2 =	vld.idx.msk [tilespmem:v2+s14+$0x0], $0xffff;
	_ =	sdelay $0x1  }
0x1bb: {  	v3 =	vmov s31  }
0x1bc: {  	v3 =	vmul.u32 $0x258, v3;
	_ =	sdelay $0x1  }
0x1bd: {  	v3 =	vbroadcast v3, $0x0;
	v4 =	vadd.s32 v0, v2  }
0x1be: {  	v5 =	vand.u32 $0xFFFFFFF8, v4  }
0x1bf: {  	v4 =	vand.u32 $0x7, v4;
	v5 =	vadd.s32 v3, v5  }
0x1c0: {  	v4 =	vor.u32 v4, v5;
	_ =	sdelay $0x2  }
0x1c1: {  	v2 =	vadd.s32 v1, v2  }
0x1c2: {  	v5 =	vand.u32 $0xFFFFFFF8, v2  }
0x1c3: {  	v63 =	vadd.s32 s31, v0;
	v2 =	vand.u32 $0x7, v2;
	v3 =	vadd.s32 v3, v5;
	v4 =	vld.idx.msk [tilespmem:v4+s21+$0x0], $0xffff  }
0x1c4: {  	v2 =	vor.u32 v2, v3;
	_ =	sdelay $0x3  }
0x1c5: {  	s28 =	simm.s32 $0x10;
	s20 =	sadd.s32 $0x1, s6;
	[tilespmem:v63+s0+$0x0] =	vst.idx.msk $0xffff, v4  }
0x1c6: {  	s18 =	simm.s32 $0x2;
	s3 =	sadd.s32 $0xE0, s12;
	s12 =	simm.s32 $0x1;
	v3 =	vadd.s32 s28, v0;
	v2 =	vld.idx.msk [tilespmem:v2+s21+$0x0], $0xffff  }
.LBB2_17:
0x1c7: {  	p0 =	sne.s32 s18, $0x1F;
	v4 =	vmov s20;
	_ =	sdelay $0x3  }
0x1c8: {  	[tilespmem:v3+s0+$0x0] =	vst.idx.msk $0xffff, v2  }
0x1c9: {  	v2 =	vld.idx.msk [tilespmem:v4+s14+$0x0], $0xffff;
	_ =	sdelay $0x2  }
0x1ca: {  	v3 =	vmov s12;
	s12 =	smov.u32 s18  }
0x1cb: {  	v3 =	vmul.u32 $0x258, v3;
	_ =	sdelay $0x1  }
0x1cc: {  	v3 =	vbroadcast v3, $0x0;
	v4 =	vadd.s32 v0, v2  }
0x1cd: {  	v5 =	vand.u32 $0xFFFFFFF8, v4  }
0x1ce: {  	v4 =	vand.u32 $0x7, v4;
	v5 =	vadd.s32 v3, v5  }
0x1cf: {  	v4 =	vor.u32 v4, v5;
	_ =	sdelay $0x3  }
0x1d0: {  	v2 =	vadd.s32 v1, v2  }
0x1d1: {  	s31 =	sadd.s32 $0x12C, s31;
	v5 =	vand.u32 $0xFFFFFFF8, v2;
	v4 =	vld.idx.msk [tilespmem:v4+s21+$0x0], $0xffff  }
0x1d2: {  	v6 =	vadd.s32 s31, v0;
	v2 =	vand.u32 $0x7, v2;
	v3 =	vadd.s32 v3, v5  }
0x1d3: {  	v2 =	vor.u32 v2, v3;
	_ =	sdelay $0x1  }
.Ltmp7:
0x1d4: {  	(pc) =	sbr.rel @p0 .LBB2_17-.Ltmp7, $4  }
0x1d5: {  	_ = 	snop  }
0x1d6: {  	[tilespmem:v6+s0+$0x0] =	vst.idx.msk $0xffff, v4  }
0x1d7: {  	s24 =	sadd.s32 $0x10, s31;
	v2 =	vld.idx.msk [tilespmem:v2+s21+$0x0], $0xffff  }
0x1d8: {  	s18 =	sadd.s32 $0x1, s18;
	s20 =	sadd.s32 s12, s6;
	v3 =	vadd.s32 s24, v0  }
0x1d9: {  	v4 =	vmov s20;
	_ =	sdelay $0x3  }
0x1da: {  	[tilespmem:v3+s0+$0x0] =	vst.idx.msk $0xffff, v2  }
0x1db: {  	v2 =	vld.idx.msk [tilespmem:v4+s14+$0x0], $0xffff;
	_ =	sdelay $0x1  }
0x1dc: {  	v3 =	vmov s12  }
0x1dd: {  	v3 =	vmul.u32 $0x258, v3;
	_ =	sdelay $0x1  }
0x1de: {  	v3 =	vbroadcast v3, $0x0;
	v4 =	vadd.s32 v0, v2  }
0x1df: {  	v5 =	vand.u32 $0xFFFFFFF8, v4  }
0x1e0: {  	v4 =	vand.u32 $0x7, v4;
	v5 =	vadd.s32 v3, v5  }
0x1e1: {  	v4 =	vor.u32 v4, v5;
	_ =	sdelay $0x2  }
0x1e2: {  	v2 =	vadd.s32 v1, v2  }
0x1e3: {  	s24 =	sadd.s32 $0x12C, s31;
	v63 =	vand.u32 $0xFFFFFFF8, v2  }
0x1e4: {  	v6 =	vadd.s32 s24, v0;
	v2 =	vand.u32 $0x7, v2;
	v3 =	vadd.s32 v3, v63;
	v4 =	vld.idx.msk [tilespmem:v4+s21+$0x0], $0xffff  }
0x1e5: {  	v2 =	vor.u32 v2, v3;
	_ =	sdelay $0x3  }
0x1e6: {  	s12 =	sadd.s32 $0x10, s24;
	[tilespmem:v6+s0+$0x0] =	vst.idx.msk $0xffff, v4  }
0x1e7: {  	v3 =	vadd.s32 s12, v0;
	v2 =	vld.idx.msk [tilespmem:v2+s21+$0x0], $0xffff;
	_ =	sdelay $0x1  }
0x1e8: {  	s28 =	smin.u32 s13, $0xBC;
	s3 =	sadd.s32 s4, s3;
	s11 =	sadd.s32 $0x1, s11  }
0x1e9: {  	s31 =	simm.s32 $0x0;
	s3 =	smul.u32 $0x12C, s3;
	p0 =	sne.s32 s11, $0x31  }
.Ltmp8:
0x1ea: {  	s8 =	sadd.s32 $0x80, s8;
	s12 =	sshll.u32 s28, $0x5;
	(pc) =	sbr.rel @p0 .LBB2_10-.Ltmp8, $4  }
0x1eb: {  	s9 =	sadd.s32 $0x80, s9;
	s3 =	sshrl.u32 s3, $0x3;
	s12 =	sadd.s32 $0x160, s12;
	[tilespmem:v3+s0+$0x0] =	vst.idx.msk $0xffff, v2  }
0x1ec: {  	[tilespmem:s21], [sflag:$0x4] =	stream.indirect.gather [hbm4b:s5+s15], $0x258, s12, s15, $0xb8;
	[tilespmem:$0x1F400] =	vst v63  }
0x1ed: {  	s6 =	sadd.s32 $0x80, s6;
	s10 =	sadd.s32 $0x80, s10;
	s3 =	sadd.s32 s2, s3  }
0x1ee: {  	[hbm4b:s3+s31] =	stream.linear.scatter [tilespmem:s0], [sflag:$0x8], $0x2580, $0x38;
	[tilespmem:$0x1F400] =	vst v63  }
0x1ef: {  	_ =	swait.ge [sflag:s22], $0x4B00  }
0x1f0: {  	[sflag:s22] =	ssyncset.done $0x0  }
0x1f1: {  	s3 =	simm.s32 $0x5;
	[sflag:s22] =	ssyncadd.s32 $0xFFFFB500  }
0x1f2: {  	_ =	swait.ge [sflag:s3], $0x2580  }
0x1f3: {  	[sflag:s3] =	ssyncset.done $0x0  }
0x1f4: {  	[sflag:s3] =	ssyncadd.s32 $0xFFFFDA80  }
0x1f5: {  	_ =	swait.ge [sflag:s25], $0x4B00  }
0x1f6: {  	[sflag:s25] =	ssyncset.done $0x0  }
0x1f7: {  	s24 =	simm.s32 $0x6;
	[sflag:s25] =	ssyncadd.s32 $0xFFFFB500  }
0x1f8: {  	_ =	swait.ge [sflag:s24], $0x2580  }
0x1f9: {  	[sflag:s24] =	ssyncset.done $0x0  }
0x1fa: {  	[sflag:s24] =	ssyncadd.s32 $0xFFFFDA80  }
0x1fb: {  	_ =	swait.ge [sflag:s29], $0x4B00  }
0x1fc: {  	[sflag:s29] =	ssyncset.done $0x0  }
0x1fd: {  	s28 =	simm.s32 $0x7;
	[sflag:s29] =	ssyncadd.s32 $0xFFFFB500  }
0x1fe: {  	_ =	swait.ge [sflag:s28], $0x2580  }
0x1ff: {  	[sflag:s28] =	ssyncset.done $0x0  }
0x200: {  	[sflag:s28] =	ssyncadd.s32 $0xFFFFDA80  }
0x201: {  	_ =	swait.ge [sflag:s1], $0x4B00  }
0x202: {  	[sflag:s1] =	ssyncset.done $0x0  }
0x203: {  	s6 =	simm.s32 $0x8;
	[sflag:s1] =	ssyncadd.s32 $0xFFFFB500  }
0x204: {  	_ =	swait.ge [sflag:s6], $0x2580  }
0x205: {  	s7 =	rddreg [dreg:$0xa]  }
0x206: {  	s31 =	rddreg [dreg:$0x9];
	s7 =	sadd.s32 $0x1, s7  }
0x207: {  	p0 =	sne.s32 s7, s31  }
.Ltmp9:
0x208: {  	_ = 	snop;
	(pc) =	sbr.rel @p0 .LBB2_1-.Ltmp9, $3  }
0x209: {  	_ =	sdelay $0x1  }
0x20a: {  	[sflag:s6] =	ssyncset.done $0x0  }
0x20b: {  	[sflag:s6] =	ssyncadd.s32 $0xFFFFDA80  }
0x20c: {  	_ =	sfence.sel $0x180000  }
0x20d: {  	[bflag:$0x0] =	sbarrier.arrive $0xFFFF  }
0x20e: {  	_ =	strace $0x90000047  }
0x20f: {  	s0 =	stileid.u32;
	[bflag:$0x2] =	sbarrier.arrive $0xFFFF  }
0x210: {  	p0 =	sne.s32 s0, $0x0;
	s0 =	rddreg [dreg:$0x2]  }
0x211: {  	s0 =	sadd.s32 @!p0 $0x100000, s0  }
0x212: {  	[sflag:s0] =	ssyncadd.tile.s32 @!p0 $0x1;
	_ =	shalt  }
.Lfunc_end2:
_tile_overlayer_lowered:
.L_overlay_start_2:
0x213: {  	(tag) =	ssettag $0x2  }
0x214: {  	s0 =	rddreg [dreg:$0x0];
	s2 =	stileid.u32  }
0x215: {  	s1 =	rddreg [dreg:$0x1];
	p0 =	sne.s32 s2, $0x0  }
0x216: {  	s3 =	rddreg [dreg:$0x2];
	[bflag:$0x3] =	sbarrier.arrive $0xFFFF;
	s2 =	simm.s32 @!p0 $0x1C09  }
0x217: {  	[timem:s3], [sflag:s2] =	dma.local @!p0 [hbm:s0], s1  }
0x218: {  	s0 =	simm.s32 @!p0 $0x9  }
0x219: {  	_ =	swait.ge @!p0 [sflag:s0], s1  }
0x21a: {  	s1 =	ssub.s32 @!p0 $0x0, s1;
	[sflag:s0] =	ssyncset.done @!p0 $0x0  }
0x21b: {  	[sflag:s0] =	ssyncadd.s32 @!p0 s1  }
0x21c: {  	[bflag:$0x3] =	sbarrier.arrive $0xFFFF  }
0x21d: {  	_ =	shalt  }

// kernel: sparse-core-data-format-call.cloned.1.call-start
scs
called_computation_lowered:
.L_overlay_start_0:
0x0: {  	s2 =	sld [smem:$0x3FD9]  }
0x1: {  	s3 =	sld [smem:$0x3FFE];
	_ =	sdelay $0x1  }
0x2: {  	s1 =	srdreg.scid  }
0x3: {  	s0 =	sand.u32 $0x1, s1  }
0x4: {  	s18 =	sshll.u32 s0, $0xA;
	s2 =	sadd.s32 s3, s2  }
0x5: {  	s2 =	sadd.s32 s2, s18  }
0x6: {  	[smem:$0x3FC6] =	sst s2  }
0x7: {  	_ = 	snop  }
0x8: {  	s2 =	sld [smem:$0x3FD0];
	(tm) =	ssettm $0x1  }
0x9: {  	s19 =	sld [smem:$0x3FFB];
	_ =	sdelay $0x3  }
0xa: {  	_ =	strace s19  }
0xb: {  	s3 =	sld [smem:$0x3FFC];
	_ =	sdelay $0x3  }
0xc: {  	_ =	strace s3  }
0xd: {  	s3 =	sld [smem:$0x3FFD];
	_ =	sdelay $0x3  }
0xe: {  	_ =	strace s3  }
0xf: {  	_ =	strace $0x8FFFFFFF  }
0x10: {  	s20 =	sld [smem:$0x3FDB];
	_ =	sdelay $0x1  }
0x11: {  	s4 =	simm.s32 $_scs_section_size  }
0x12: {  	s5 =	simm.s32 $_size__tile_overlayer_lowered;
	s6 =	simm.s32 $_tile_overlayer_lowered  }
0x13: {  	s23 =	simm.s32 $0x1BFF;
	s22 =	sshll.u32 s6, $0x1;
	s3 =	sadd.s32 s4, s20  }
0x14: {  	s7 =	simm.s32 $0x0;
	s21 =	sshll.u32 s5, $0x1;
	s5 =	sadd.s32 s22, s3  }
0x15: {  	[timem:s7], [sflag:s23] =	dma.local [hbm:s5], s21  }
0x16: {  	_ =	swait.ge [sflag:s23], s21  }
0x17: {  	s4 =	ssub.s32 $0x0, s21;
	[sflag:s23] =	ssyncset.done $0x0  }
0x18: {  	[sflag:s23] =	ssyncadd.s32 s4;
	_ =	sdelay $0x1  }
0x19: {  	s24 =	simm.s32 $0x1B8B  }
0x1a: {  	_ =	swait.ge [sflag:s24], $0x1  }
0x1b: {  	[sflag:s24] =	ssyncset.done $0x0  }
0x1c: {  	s26 =	simm.s32 $0x1B8E;
	s25 =	sld [smem:$0x3FFE];
	[sflag:s24] =	ssyncadd.s32 $0xFFFFFFFF  }
0x1d: {  	s27 =	simm.s32 $execute0_lowered;
	[smem:$0x3FD2] =	sst s26  }
0x1e: {  	s5 =	sshll.u32 s27, $0x1;
	_ =	strace $0x80000049;
	[dreg:$0x1] =	wrdreg $0xFFFFFFFF  }
0x1f: {  	s28 =	simm.s32 $_size_execute0_lowered;
	s3 =	sadd.s32 s3, s5;
	[dreg:$0x0] =	wrdreg $0x0  }
0x20: {  	s5 =	sshll.u32 s28, $0x1;
	[dreg:$0x2] =	wrdreg s3  }
0x21: {  	[dreg:$0x3] =	wrdreg s5  }
0x22: {  	[dreg:$0x4] =	wrdreg $0xC0  }
0x23: {  	_ =	task [dreg:s7], $0x5FFFF  }
0x24: {  	[dreg:$0x1] =	wrdreg $0xFFFFFFFF  }
0x25: {  	[dreg:$0x0] =	wrdreg $0x60  }
0x26: {  	[dreg:$0x2] =	wrdreg s25  }
0x27: {  	[dreg:$0x3] =	wrdreg s2  }
0x28: {  	[dreg:$0x4] =	wrdreg $0x9  }
0x29: {  	_ =	task.clear_ibuf [dreg:s7], $0x5FFFF;
	_ =	strace $0x90000049  }
0x2a: {  	s29 =	simm.s32 $0x9;
	_ =	strace $0x8000004B  }
0x2b: {  	_ =	swait.ge [sflag:s29], $0x1  }
0x2c: {  	[sflag:s29] =	ssyncadd.s32 $0xFFFFFFFF  }
0x2d: {  	_ =	strace $0x9000004B  }
0x2e: {  	_ =	sfence  }
0x2f: {  	s30 =	sld [smem:$0x0];
	_ =	sdelay $0x2  }
0x30: {  	s31 =	sshll.u32 s1, $0xD;
	s1 =	sshrl.u32 s1, $0x2  }
0x31: {  	s3 =	sand.u32 $0x4000, s31;
	s1 =	sadd.s32 s1, s30  }
0x32: {  	s0 =	sor.u32 s3, s0;
	s1 =	sshll.u32 s1, $0x11  }
0x33: {  	s0 =	sor.u32 s1, s0  }
0x34: {  	s0 =	sadd.s32 $0x8F2B, s0  }
0x35: {  	[sflag:s0] =	ssyncadd.remote.s32 $0x1  }
0x36: {  	_ =	sfence.sel $0xFFFF  }
0x37: {  	[dreg:$0x0] =	wrdreg $0xFFFFFFFF;
	(pc) =	sbr.abs _section_cstart, $3  }
0x38: {  	[dreg:$0x1] =	wrdreg $0xFFFFFFFF  }
0x39: {  	_ =	task.clear_ibuf [dreg:s7], $0x2FFFF;
	_ =	strace $0x9FFFFFFF  }
0x3a: {  	(tm) =	ssettm $0x7FFFFFFF  }
0x3b: {  	_ =	shalt  }
tec
execute0_lowered:
.L_overlay_start_1:
0x0: {  	(tag) =	ssettag $0x1  }
0x1: {  	s0 =	srdreg.scid;
	s6 =	rddreg [dreg:$0x0]  }
0x2: {  	s3 =	rddreg [dreg:$0x1];
	s1 =	sshll.u32 s0, $0x4  }
0x3: {  	s5 =	simm.s32 $0x1;
	s0 =	stileid.u32;
	s1 =	sand.u32 $0x10, s1  }
0x4: {  	s31 =	simm.s32 $0x2;
	s16 =	simm.s32 $0x0;
	s1 =	sor.u32 s0, s1  }
0x5: {  	s8 =	simm.s32 $0x8000;
	s18 =	simm.s32 $0x0;
	s2 =	sshll.u32 s1, $0x7  }
0x6: {  	s17 =	simm.s32 $0x0;
	s9 =	simm.s32 $0x0;
	s4 =	ssub.s32 $0x1000, s2  }
0x7: {  	s10 =	simm.s32 $0x0;
	s11 =	simm.s32 $0x0;
	s30 =	sand.u32 $0xF80, s4  }
0x8: {  	s12 =	simm.s32 $0x0;
	s13 =	simm.s32 $0x0;
	p0 =	sne.s32 s30, $0x0  }
.Ltmp0:
0x9: {  	s7 =	sshrl.u32 s4, $0xC;
	s5 =	simm.s32 @!p0 $0x0;
	(pc) =	sbr.rel .LBB1_1-.Ltmp0, $4  }
0xa: {  	s15 =	simm.s32 $0x0;
	s1 =	rddreg [dreg:$0x2];
	s5 =	sadd.s32 s5, s7  }
0xb: {  	_ =	strace $0x8000004A;
	s4 =	simm.s32 $0x1;
	s5 =	smul.u32 $0x96, s5  }
0xc: {  	s6 =	sadd.s32 $0xA00, s6;
	s14 =	smov.u32 s2;
	[sflag:s4] =	ssyncpa.u1 $0x0  }
0xd: {  	[sflag:s31] =	ssyncpa.u1 $0x0;
	p0 =	por $0x0, $0x0;
	s7 =	sor.u32 $0x1, s5  }
.LBB1_4:
0xe: {  	s23 =	sshra.s32 s23, $0x2;
	s30 =	sshll.u32 s9, $0xC  }
0xf: {  	p1 =	sgt.s32 s10, $0x31;
	s24 =	smov.u32 s10;
	s25 =	sshra.s32 s10, $0x1F  }
0x10: {  	s26 =	sshll.u32 s11, $0x3;
	s28 =	smov.u32 s11;
	s29 =	sshra.s32 s11, $0x1F  }
0x11: {  	s22 =	sadd.s32 s23, s22;
	s24 =	simm.s32 @!p1 $0x31;
	s25 =	sand.u32 s25, s10  }
0x12: {  	s23 =	sand.u32 $0xFFFF8000, s30;
	s27 =	sand.u32 $0xFFFFFC00, s26;
	p1 =	sgt.s32 s9, $0xB0  }
0x13: {  	s31 =	sand.u32 s29, s11;
	s29 =	sshll.u32 s9, $0x7;
	s30 =	sshra.s32 s9, $0x1F  }
0x14: {  	[tilespmem:s21+$0x2040 ss:$0x81] =	vst.msk $0xffff, v4;
	s24 =	ssub.s32 s24, s25;
	s23 =	sadd.s32 s27, s23;
	s27 =	smov.u32 s9  }
0x15: {  	[tilespmem:s21+$0x2850 ss:$0x81] =	vst.msk $0xffff, v3;
	s29 =	sand.u32 $0x380, s29;
	s25 =	sadd.s32 $0xFFFFFFCF, s24;
	s27 =	simm.s32 @!p1 $0xB0  }
0x16: {  	v5 =	vld [tilespmem:s20+$0xFFFFFFD0];
	[tilespmem:s21+$0x3060 ss:$0x81] =	vst.msk $0xffff, v2;
	p1 =	sgt.s32 s11, $0xF80;
	s23 =	sshrl.u32 s23, $0xC;
	s24 =	ssub.s32 $0x32, s24  }
0x17: {  	v58 =	vld [tilespmem:s20+$0xFFFFFFE0];
	[tilespmem:s21+$0x0 ss:$0x81] =	vst.msk $0xffff, v1;
	s28 =	simm.s32 @!p1 $0xF80;
	p1 =	sgt.s32 s25, $0x0;
	s21 =	smulhi.u32 $0xD79436, s23  }
0x18: {  	v59 =	vld [tilespmem:s20+$0xFFFFFFF0];
	s25 =	ssub.s32 s28, s31;
	s28 =	sand.u32 s30, s9;
	s24 =	simm.s32 @p1 $0x0  }
0x19: {  	v60 =	vld [tilespmem:s20+$0x0];
	s27 =	ssub.s32 s27, s28;
	s31 =	sadd.s32 $0xFFFFF080, s25;
	s25 =	ssub.s32 $0x1000, s25  }
0x1a: {  	v61 =	vld [tilespmem:s20+$0x10];
	[tilespmem:s22+$0x3870 ss:$0x81] =	vst.msk $0xffff, v0;
	s21 =	smul.u32 $0x130, s21;
	s28 =	sand.u32 $0x7, s11;
	p1 =	sgt.s32 s31, $0x7F  }
0x1b: {  	v62 =	vld [tilespmem:s20+$0x20];
	[tilespmem:s22+$0x810 ss:$0x81] =	vst.msk $0xffff, v5;
	s30 =	sadd.s32 $0xFFFFFF50, s27;
	s31 =	sand.u32 $0x78, s11;
	s25 =	simm.s32 @p1 $0x0  }
0x1c: {  	v63 =	vld [tilespmem:s20+$0xFFFFFFC0];
	[tilespmem:s22+$0x1020 ss:$0x81] =	vst.msk $0xffff, v58;
	p1 =	sgt.s32 s30, $0x7F;
	s30 =	sand.u32 $0xC00, s26;
	s24 =	smul.u32 s25, s24  }
0x1d: {  	[tilespmem:s22+$0x1830 ss:$0x81] =	vst.msk $0xffff, v59;
	s26 =	ssub.s32 $0x130, s27;
	s20 =	sor.u32 s31, s30;
	s31 =	smul.u32 $0x26000, s10  }
0x1e: {  	[tilespmem:s22+$0x2040 ss:$0x81] =	vst.msk $0xffff, v60;
	s21 =	ssub.s32 s23, s21;
	s26 =	simm.s32 @p1 $0x0;
	s20 =	sor.u32 s29, s20  }
0x1f: {  	[tilespmem:s22+$0x2850 ss:$0x81] =	vst.msk $0xffff, v61;
	s26 =	smul.u32 s26, s24;
	s20 =	sshrl.u32 s20, $0x3;
	s27 =	sadd.s32 s3, s31  }
0x20: {  	[tilespmem:s22+$0x3060 ss:$0x81] =	vst.msk $0xffff, v62;
	s21 =	sshll.u32 s21, $0x9;
	s29 =	sshll.u32 s28, $0x12;
	s20 =	sadd.s32 s20, s27  }
0x21: {  	[tilespmem:s22+$0x0 ss:$0x81] =	vst.msk $0xffff, v63;
	s31 =	sor.u32 $0x400, s29;
	s30 =	sand.u32 $0x3FFFFFFF, s26;
	s20 =	sadd.s32 s21, s20  }
0x22: {  	[hbm4b:s20+s31] =	stream.strided.scatter [tilespmem:s19], [sflag:$0x2], s30, s8, s31, $0x20;
	[tilespmem:$0x10100] =	vst v63  }
.LBB1_5:
0x23: {  	p1 =	slt.u32 s15, $0x2  }
0x24: {  	p2 =	sgt.s32 @!p1 s18, $0x31  }
0x25: {  	s19 =	smov.u32 s18;
	s20 =	sshra.s32 @!p1 s18, $0x1F;
	p2 =	por !p2, p1  }
0x26: {  	s18 =	sand.u32 @!p1 s20, s18;
	s19 =	simm.s32 @p2 $0x31  }
0x27: {  	p3 =	sgt.s32 @!p1 s16, $0xB0;
	s18 =	ssub.s32 @!p1 s19, s18  }
0x28: {  	p4 =	sgt.s32 @!p1 s17, $0xF80;
	s21 =	sshra.s32 @!p1 s17, $0x1F;
	s19 =	sadd.s32 @!p1 $0xFFFFFFCF, s18  }
0x29: {  	s20 =	smov.u32 s16;
	p2 =	sgt.s32 @!p1 s19, $0x0;
	s19 =	sshra.s32 @!p1 s16, $0x1F  }
0x2a: {  	p4 =	por !p4, p1;
	s16 =	sand.u32 @!p1 s19, s16;
	s19 =	smov.u32 s17  }
0x2b: {  	p3 =	por !p3, p1;
	s17 =	sand.u32 @!p1 s21, s17;
	s19 =	simm.s32 @p4 $0xF80  }
0x2c: {  	s20 =	simm.s32 @p3 $0xB0;
	s18 =	ssub.s32 @!p1 $0x32, s18;
	s17 =	ssub.s32 @!p1 s19, s17  }
0x2d: {  	p2 =	por !p2, p1;
	s16 =	ssub.s32 @!p1 s20, s16;
	s20 =	sadd.s32 @!p1 $0xFFFFF080, s17  }
0x2e: {  	s18 =	simm.s32 @!p2 $0x0;
	p3 =	sgt.s32 @!p1 s20, $0x7F  }
0x2f: {  	s19 =	sadd.s32 @!p1 $0xFFFFFF50, s16;
	s17 =	ssub.s32 @!p1 $0x1000, s17;
	p3 =	por !p3, p1  }
0x30: {  	p2 =	sgt.s32 @!p1 s19, $0x7F;
	s19 =	sadd.s32 $0x80, s12;
	s17 =	simm.s32 @!p3 $0x0  }
0x31: {  	p3 =	sgt.s32 s19, $0x12B;
	s17 =	smul.u32 @!p1 s17, s18;
	s18 =	simm.s32 $0x1  }
0x32: {  	s16 =	ssub.s32 @!p1 $0x130, s16;
	p2 =	por !p2, p1;
	s18 =	simm.s32 @!p3 $0x0  }
0x33: {  	s21 =	smov.u32 s14;
	s16 =	simm.s32 @!p2 $0x0;
	s20 =	sadd.s32 s18, s13  }
0x34: {  	s16 =	smul.u32 @!p1 s16, s17;
	s17 =	sadd.s32 $0x1000, s14;
	p2 =	sgt.s32 s20, $0x31  }
0x35: {  	p0 =	por !p0, !p0;
	s22 =	simm.s32 @!p1 $0x2;
	s21 =	smov.u32 @p2 s17  }
0x36: {  	s19 =	simm.s32 @p3 $0x0;
	s20 =	simm.s32 @p2 $0x0;
	p2 =	sgt.s32 s21, $0xFFF  }
0x37: {  	s18 =	smov.u32 s10;
	s21 =	smov.u32 @p2 s2;
	p2 =	sne.s32 s15, s7  }
.Ltmp1:
0x38: {  	s10 =	smov.u32 s13;
	s16 =	sand.u32 @!p1 $0x3FFFFFFF, s16;
	(pc) =	sbr.rel @!p2 .LBB1_6-.Ltmp1, $4  }
0x39: {  	s17 =	smov.u32 s11;
	s11 =	smov.u32 s14;
	_ =	swait.ge @!p1 [sflag:s22], s16  }
0x3a: {  	s23 =	ssub.s32 @!p1 $0x0, s16;
	s16 =	smov.u32 s9;
	s9 =	smov.u32 s12  }
0x3b: {  	s12 =	smov.u32 s19;
	s13 =	smov.u32 s20;
	[sflag:s22] =	ssyncset.done @!p1 $0x0  }
0x3c: {  	s15 =	sadd.s32 $0x1, s15;
	[sflag:s22] =	ssyncadd.s32 @!p1 s23;
	s14 =	smov.u32 s21  }
.LBB1_1:
0x3d: {  	p1 =	sge.u32 s15, s5  }
0x3e: {  	s19 =	sshrl.u32 @!p1 s13, $0x3  }
0x3f: {  	s20 =	sshll.u32 @!p1 s12, $0x3;
	s19 =	smul.u32 @!p1 $0xC00, s19  }
0x40: {  	s21 =	sshll.u32 @!p1 s13, $0x7;
	s20 =	sand.u32 @!p1 $0xFFFFFC00, s20  }
0x41: {  	s19 =	sadd.s32 @!p1 s19, s20;
	s20 =	sand.u32 @!p1 $0x380, s21  }
0x42: {  	s19 =	sor.u32 @!p1 s20, s19  }
0x43: {  	s20 =	sand.u32 @!p1 $0x7F, s12;
	s21 =	smulhi.u32 @!p1 $0xAAAAAAAB, s19  }
0x44: {  	s19 =	sor.u32 @!p1 s20, s19  }
0x45: {  	s20 =	smulhi.u32 @!p1 $0xAAAAAAAB, s19;
	s21 =	sshrl.u32 @!p1 s21, $0x8  }
0x46: {  	s22 =	smulhi.u32 @!p1 $0x4924925, s21;
	_ =	sdelay $0x1  }
0x47: {  	s20 =	sshrl.u32 @!p1 s20, $0x8;
	s22 =	smul.u32 @!p1 $0x38, s22  }
0x48: {  	s31 =	sadd.s32 $0xFFFFFFFF, s15;
	s20 =	smul.u32 @!p1 $0x180, s20  }
0x49: {  	s23 =	sxor.u32 @!p1 $0xFFFFFFFF, s15;
	s21 =	ssub.s32 @!p1 s21, s22;
	s22 =	smul.u32 @!p1 $0xA80, s14  }
0x4a: {  	s23 =	sshll.u32 @!p1 s23, $0xE;
	s19 =	ssub.s32 @!p1 s19, s20;
	s20 =	smul.u32 @!p1 $0x30, s21  }
0x4b: {  	s21 =	sand.u32 @!p1 $0x4000, s23;
	s23 =	sand.u32 @!p1 $0x7, s19;
	s22 =	sadd.s32 @!p1 s6, s22  }
0x4c: {  	s19 =	sshrl.u32 @!p1 s19, $0x3;
	s20 =	sadd.s32 @!p1 s20, s22;
	s22 =	sshll.u32 @!p1 s23, $0x12  }
0x4d: {  	s19 =	sadd.s32 @!p1 s19, s20;
	s20 =	sor.u32 @!p1 $0x80, s22;
	s22 =	simm.s32 @!p1 $0x5400  }
0x4e: {  	[tilespmem:s21], [sflag:$0x1] =	stream.strided.gather @!p1 [hbm4b:s19+s20], $0x4000, s22, s20, $0x38;
	[tilespmem:$0x10100] =	vst v63  }
0x4f: {  	p1 =	sge.u32 s31, s5  }
.Ltmp2:
0x50: {  	_ = 	snop;
	(pc) =	sbr.rel @p1 .LBB1_5-.Ltmp2, $1  }
0x51: {  	_ =	sdelay $0x3  }
0x52: {  	s19 =	simm.s32 $0x1  }
0x53: {  	_ =	swait.ge [sflag:s4], $0x4000;
	s19 =	simm.s32 @!p0 $0x0  }
0x54: {  	[sflag:s4] =	ssyncset.done $0x0;
	s20 =	sshll.u32 s19, $0xE  }
0x55: {  	[sflag:s4] =	ssyncadd.s32 $0xFFFFC000;
	s20 =	sor.u32 $0x40, s20  }
0x56: {  	s19 =	smul.u32 $0x10200, s19;
	v0 =	vld [tilespmem:s20+$0x30]  }
0x57: {  	v1 =	vld [tilespmem:s20+$0xFFFFFFD0]  }
0x58: {  	s19 =	sshrl.u32 s19, $0x2;
	v5 =	vld [tilespmem:s20+$0xFFFFFFE0]  }
0x59: {  	v6 =	vld [tilespmem:s20+$0xFFFFFFF0];
	s22 =	sor.u32 $0x8000, s19  }
0x5a: {  	s31 =	sand.u32 $0x1, s15;
	v4 =	vld [tilespmem:s20+$0x0];
	s21 =	sadd.s32 $0x0, s22  }
0x5b: {  	v3 =	vld [tilespmem:s20+$0x10];
	s19 =	smul.u32 $0x10200, s31;
	[tilespmem:s21+$0x3870 ss:$0x81] =	vst.msk $0xffff, v0  }
0x5c: {  	v2 =	vld [tilespmem:s20+$0x20];
	[tilespmem:s21+$0x810 ss:$0x81] =	vst.msk $0xffff, v1  }
0x5d: {  	s19 =	sshrl.u32 s19, $0x2;
	v1 =	vld [tilespmem:s20+$0xFFFFFFC0];
	[tilespmem:s21+$0x1020 ss:$0x81] =	vst.msk $0xffff, v5;
	s20 =	sadd.s32 $0x80, s20  }
0x5e: {  	s23 =	simm.s32 $0x4;
	s24 =	simm.s32 $0x8;
	s19 =	sor.u32 $0x8000, s19;
	[tilespmem:s21+$0x1830 ss:$0x81] =	vst.msk $0xffff, v6;
	v0 =	vld [tilespmem:s20+$0x30]  }
.LBB1_3:
0x5f: {  	p1 =	sne.s32 s24, $0x1FC;
	v5 =	vld [tilespmem:s20+$0xFFFFFFD0];
	[tilespmem:s21+$0x2040 ss:$0x81] =	vst.msk $0xffff, v4  }
0x60: {  	v6 =	vld [tilespmem:s20+$0xFFFFFFE0];
	[tilespmem:s21+$0x2850 ss:$0x81] =	vst.msk $0xffff, v3  }
0x61: {  	s25 =	sshra.s32 s23, $0x2;
	s23 =	smov.u32 s24;
	v7 =	vld [tilespmem:s20+$0xFFFFFFF0];
	[tilespmem:s21+$0x3060 ss:$0x81] =	vst.msk $0xffff, v2  }
.Ltmp3:
0x62: {  	v4 =	vld [tilespmem:s20+$0x0];
	[tilespmem:s21+$0x0 ss:$0x81] =	vst.msk $0xffff, v1;
	s21 =	sadd.s32 s25, s22;
	(pc) =	sbr.rel @p1 .LBB1_3-.Ltmp3, $4  }
0x63: {  	v3 =	vld [tilespmem:s20+$0x10];
	[tilespmem:s21+$0x3870 ss:$0x81] =	vst.msk $0xffff, v0  }
0x64: {  	[tilespmem:s21+$0x810 ss:$0x81] =	vst.msk $0xffff, v5;
	v2 =	vld [tilespmem:s20+$0x20]  }
0x65: {  	v1 =	vld [tilespmem:s20+$0xFFFFFFC0];
	[tilespmem:s21+$0x1020 ss:$0x81] =	vst.msk $0xffff, v6;
	s20 =	sadd.s32 $0x80, s20  }
0x66: {  	s24 =	sadd.s32 $0x4, s24;
	v0 =	vld [tilespmem:s20+$0x30];
	[tilespmem:s21+$0x1830 ss:$0x81] =	vst.msk $0xffff, v7  }
.Ltmp4:
0x67: {  	_ = 	snop;
	(pc) =	sbr.rel .LBB1_4-.Ltmp4, $1  }
0x68: {  	_ =	sdelay $0x3  }
.LBB1_6:
0x69: {  	_ =	sfence.sel $0x180000  }
0x6a: {  	s2 =	simm.s32 $0x1;
	[bflag:$0x0] =	sbarrier.arrive $0xFFFF  }
0x6b: {  	s31 =	simm.s32 $0x2;
	[sflag:s2] =	ssyncpa.u1 $0x1  }
0x6c: {  	[sflag:s31] =	ssyncpa.u1 $0x1  }
0x6d: {  	p0 =	sne.s32 s0, $0x0;
	_ =	strace $0x9000004A  }
0x6e: {  	s0 =	sadd.s32 @!p0 $0x100000, s1;
	[bflag:$0x2] =	sbarrier.arrive $0xFFFF  }
0x6f: {  	[sflag:s0] =	ssyncadd.tile.s32 @!p0 $0x1;
	_ =	shalt  }
.Lfunc_end1:
_tile_overlayer_lowered:
.L_overlay_start_2:
0x70: {  	(tag) =	ssettag $0x2  }
0x71: {  	s0 =	rddreg [dreg:$0x0];
	s2 =	stileid.u32  }
0x72: {  	s1 =	rddreg [dreg:$0x1];
	p0 =	sne.s32 s2, $0x0  }
0x73: {  	s3 =	rddreg [dreg:$0x2];
	[bflag:$0x3] =	sbarrier.arrive $0xFFFF;
	s2 =	simm.s32 @!p0 $0x1C01  }
0x74: {  	[timem:s3], [sflag:s2] =	dma.local @!p0 [hbm:s0], s1  }
0x75: {  	s0 =	simm.s32 @!p0 $0x1  }
0x76: {  	_ =	swait.ge @!p0 [sflag:s0], s1  }
0x77: {  	s1 =	ssub.s32 @!p0 $0x0, s1;
	[sflag:s0] =	ssyncset.done @!p0 $0x0  }
0x78: {  	[sflag:s0] =	ssyncadd.s32 @!p0 s1  }
0x79: {  	[bflag:$0x3] =	sbarrier.arrive $0xFFFF  }
0x7a: {  	_ =	shalt  }

</sc_bundles>
